<compile_context>
chip_gen: v7x
topology: tpu7x:2x2x1
jax: 0.10.2.dev20260603
libtpu: 0.0.44.dev20260713+nightly
codegen_flags: <defaults>
</compile_context>

<pallas_src>
import functools

import jax
import jax.numpy as jnp
from jax import lax
from jax.experimental import pallas as pl
from jax.experimental.pallas import tpu as pltpu
from jax.experimental.pallas import tpu_sc as plsc

N_NODES = 10000
N_EDGES = 320000
D = 128

NC = 2
NS = 16
NW = NC * NS

CH = 128
N_CHUNKS = N_EDGES // CH
NB = 78
ACC_N = 10112
RPT = ACC_N // NS
IDX_WIN = 88
DST_PAD = 2504


def _sc_segment_sum(edge_features, dst_chunks):
    mesh = plsc.VectorSubcoreMesh(core_axis_name="c", subcore_axis_name="s")

    @functools.partial(
        pl.kernel,
        out_type=jax.ShapeDtypeStruct((NC, ACC_N, D), jnp.float32),
        mesh=mesh,
        scratch_types=[
            pltpu.VMEM((IDX_WIN, CH), jnp.int32),
            pltpu.VMEM((CH, D), jnp.float32),
            pltpu.VMEM((CH, D), jnp.float32),
            pltpu.VMEM_SHARED((ACC_N, D), jnp.float32),
            pltpu.SemaphoreType.DMA,
            pltpu.SemaphoreType.DMA,
        ],
    )
    def body(edge_hbm, idx_hbm, out_hbm, idx_v, ebufA, ebufB, acc,
             semA, semB):
        c = lax.axis_index("c")
        s = lax.axis_index("s")
        wid = c * NS + s

        cnt = jnp.int32(NB) + jnp.where(wid < 4, jnp.int32(1), jnp.int32(0))
        start = wid * jnp.int32(NB) + jnp.minimum(wid, jnp.int32(4))
        ws8 = pl.multiple_of(start - lax.rem(start, jnp.int32(8)), 8)
        off = start - ws8

        def load(slot, buf, sem):
            return pltpu.async_copy(
                edge_hbm.at[pl.ds((start + slot) * CH, CH)], buf, sem)

        def wait_load(buf, sem):
            pltpu.make_async_copy(edge_hbm.at[pl.ds(0, CH)], buf, sem).wait()

        def scatter(buf, slot):
            pltpu.sync_copy(buf, acc.at[idx_v.at[off + slot]], add=True)

        pltpu.async_copy(idx_hbm.at[pl.ds(ws8, IDX_WIN)], idx_v, semB)
        load(jnp.int32(0), ebufA, semA)

        def zrow(r, _):
            for q in range(D // 16):
                ebufB[r, pl.ds(q * 16, 16)] = jnp.zeros((16,), jnp.float32)
            return 0
        lax.fori_loop(0, CH, zrow, 0)
        base_r = s * RPT
        nfull = RPT // CH
        for k in range(nfull):
            pltpu.async_copy(ebufB, acc.at[pl.ds(base_r + k * CH, CH)], semB)
        rem = RPT - nfull * CH
        if rem:
            pltpu.async_copy(ebufB.at[pl.ds(0, rem)],
                             acc.at[pl.ds(base_r + nfull * CH, rem)], semB)
        for k in range(nfull):
            pltpu.make_async_copy(
                ebufB, acc.at[pl.ds(base_r + k * CH, CH)], semB).wait()
        if rem:
            pltpu.make_async_copy(
                ebufB.at[pl.ds(0, rem)],
                acc.at[pl.ds(base_r + nfull * CH, rem)], semB).wait()
        pltpu.make_async_copy(idx_hbm.at[pl.ds(0, IDX_WIN)], idx_v,
                              semB).wait()
        plsc.subcore_barrier()

        def pipe(i, _):
            load(2 * i + 1, ebufB, semB)
            wait_load(ebufA, semA)
            scatter(ebufA, 2 * i)
            load(jnp.minimum(2 * i + 2, cnt - 1), ebufA, semA)
            wait_load(ebufB, semB)
            scatter(ebufB, 2 * i + 1)
            return 0
        lax.fori_loop(0, NB // 2, pipe, 0)
        wait_load(ebufA, semA)
        @pl.when(cnt > NB)
        def _():
            scatter(ebufA, jnp.int32(NB))

        plsc.subcore_barrier()
        pltpu.sync_copy(acc.at[pl.ds(base_r, RPT)],
                        out_hbm.at[c, pl.ds(base_r, RPT)])

    return body(edge_features, dst_chunks)


def _tc_mlp(partials, node_features, W1a, W1b, b1, W2, b2, W3, b3, gamma, beta):
    BN = 2000
    grid = N_NODES // BN

    def body(p_ref, nf_ref, w1a_ref, w1b_ref, b1_ref, w2_ref, b2_ref,
             w3_ref, b3_ref, g_ref, bt_ref, out_ref):
        hd = p_ref[0] + p_ref[1]
        nf = nf_ref[...]
        h = (jnp.dot(hd, w1a_ref[...], preferred_element_type=jnp.float32)
             + jnp.dot(nf, w1b_ref[...], preferred_element_type=jnp.float32)
             + b1_ref[...])
        h = jnp.maximum(h, 0.0)
        h = jnp.maximum(
            jnp.dot(h, w2_ref[...], preferred_element_type=jnp.float32)
            + b2_ref[...], 0.0)
        h = (jnp.dot(h, w3_ref[...], preferred_element_type=jnp.float32)
             + b3_ref[...])
        mean = jnp.mean(h, axis=-1, keepdims=True)
        cent = h - mean
        var = jnp.mean(cent * cent, axis=-1, keepdims=True)
        h = cent * lax.rsqrt(var + 1e-5) * g_ref[...] + bt_ref[...]
        out_ref[...] = h + nf

    full = lambda shape: pl.BlockSpec(shape, lambda i: (0,) * len(shape))
    return pl.pallas_call(
        body,
        grid=(grid,),
        in_specs=[
            pl.BlockSpec((NC, BN, D), lambda i: (0, i, 0)),
            pl.BlockSpec((BN, D), lambda i: (i, 0)),
            full((D, D)), full((D, D)), full((1, D)),
            full((D, D)), full((1, D)),
            full((D, D)), full((1, D)),
            full((1, D)), full((1, D)),
        ],
        out_specs=pl.BlockSpec((BN, D), lambda i: (i, 0)),
        out_shape=jax.ShapeDtypeStruct((N_NODES, D), jnp.float32),
    )(partials, node_features, W1a, W1b, b1, W2, b2, W3, b3, gamma, beta)


def kernel(node_features, edge_features, edge_index, W1, b1, W2, b2, W3, b3,
           gamma, beta):
    dst = edge_index[1].astype(jnp.int32).reshape(N_CHUNKS, CH)
    dst_chunks = jnp.concatenate(
        [dst, jnp.zeros((DST_PAD - N_CHUNKS, CH), jnp.int32)], axis=0)
    partials = _sc_segment_sum(edge_features, dst_chunks)

    W1a = W1[:D]
    W1b = W1[D:]
    r1 = lambda v: v.reshape(1, D)
    return _tc_mlp(partials, node_features, W1a, W1b, r1(b1), W2, r1(b2),
                   W3, r1(b3), r1(gamma), r1(beta))

# --- scband reference (transcript-rebuilt; emitter-appended) ---
"""Pipeline reference for scband-node-block-26474178413324 (READ-ONLY COPY).

The authoritative reference and input builder live on the scoring server;
editing this copy changes nothing except your own understanding.
"""

import jax, jax.numpy as jnp
import numpy as np

N_NODES = 10000
N_EDGES = 320000
D_NODE = 128
D_EDGE = 128


def setup_inputs(seed: int = 0) -> dict:
    key = jax.random.key(seed)
    ks = jax.random.split(key, 12)
    node_features = jax.random.normal(ks[0], (N_NODES, D_NODE), dtype=jnp.float32)
    edge_features = jax.random.normal(ks[1], (N_EDGES, D_EDGE), dtype=jnp.float32)
    edge_index = jax.random.randint(ks[2], (2, N_EDGES), 0, N_NODES, dtype=jnp.int64)
    # MLP params: Linear(D_NODE+D_EDGE -> D_NODE), ReLU, Linear(D_NODE -> D_NODE), ReLU,
    #             Linear(D_NODE -> D_NODE), LayerNorm(D_NODE)
    s1 = 1.0 / np.sqrt(D_NODE + D_EDGE)
    s2 = 1.0 / np.sqrt(D_NODE)
    W1 = jax.random.uniform(ks[3], (D_NODE + D_EDGE, D_NODE), jnp.float32, -s1, s1)
    b1 = jax.random.uniform(ks[4], (D_NODE,), jnp.float32, -s1, s1)
    W2 = jax.random.uniform(ks[5], (D_NODE, D_NODE), jnp.float32, -s2, s2)
    b2 = jax.random.uniform(ks[6], (D_NODE,), jnp.float32, -s2, s2)
    W3 = jax.random.uniform(ks[7], (D_NODE, D_NODE), jnp.float32, -s2, s2)
    b3 = jax.random.uniform(ks[8], (D_NODE,), jnp.float32, -s2, s2)
    gamma = jnp.ones((D_NODE,), dtype=jnp.float32)
    beta = jnp.zeros((D_NODE,), dtype=jnp.float32)
    return {
        "node_features": node_features,
        "edge_features": edge_features,
        "edge_index": edge_index,
        "W1": W1, "b1": b1, "W2": W2, "b2": b2, "W3": W3, "b3": b3,
        "gamma": gamma, "beta": beta,
    }


def reference(node_features, edge_features, edge_index, W1, b1, W2, b2, W3, b3, gamma, beta):
    n = node_features.shape[0]
    dst = edge_index[1]
    # DGL update_all(copy_e('x','m'), sum('m','h_dest')): scatter-add edge feats to dst nodes
    h_dest = jax.ops.segment_sum(edge_features, dst, num_segments=n)
    h = jnp.concatenate([h_dest, node_features], axis=-1)
    h = jax.nn.relu(h @ W1 + b1)
    h = jax.nn.relu(h @ W2 + b2)
    h = h @ W3 + b3
    # LayerNorm (eps matches torch default 1e-5)
    mean = jnp.mean(h, axis=-1, keepdims=True)
    var = jnp.var(h, axis=-1, keepdims=True)
    h = (h - mean) / jnp.sqrt(var + 1e-5) * gamma + beta
    return h + node_features

if __name__ == "__main__":
    import jax
    _d = setup_inputs()
    print(jax.jit(kernel)(*tuple(_d.values())))

</pallas_src>

<mosaic_0001>
#map = affine_map<(d0, d1) -> (0, 0)>
#map1 = affine_map<(d0, d1) -> (0, 0, 0)>
module attributes {stable_mosaic.version = 14 : i64} {
  func.func @body(%arg0: i32, %arg1: i32, %arg2: memref<320000x128xf32, #tpu.memory_space<hbm>>, %arg3: memref<2504x128xi32, #tpu.memory_space<hbm>>, %arg4: memref<2x10112x128xf32, #tpu.memory_space<hbm>>, %arg5: memref<88x128xi32, #tpu.memory_space<vmem>>, %arg6: memref<128x128xf32, #tpu.memory_space<vmem>>, %arg7: memref<128x128xf32, #tpu.memory_space<vmem>>, %arg8: memref<10112x128xf32, #tpu.memory_space<vmem_shared>>, %arg9: memref<!tpu.dma_semaphore, #tpu.memory_space<semaphore_mem>>, %arg10: memref<!tpu.dma_semaphore, #tpu.memory_space<semaphore_mem>>) attributes {dimension_semantics = [#tpu.dimension_semantics<core_parallel>, #tpu.dimension_semantics<subcore_parallel>], iteration_bounds = array<i64: 2, 16>, scalar_prefetch = 0 : i64, scratch_operands = 6 : i64, tpu.core_type = #tpu.core_type<sc_vector_subcore>, window_params = [{transform_indices = #map}, {transform_indices = #map}, {transform_indices = #map1}]} {
    %mul3A = arith.constant 16 : i32
    %mul3A_0 = arith.muli %arg0, %mul3A : i32
    %add3A = arith.addi %mul3A_0, %arg1 : i32
    %lt3A = arith.constant 4 : i32
    %lt3A_1 = arith.cmpi slt, %add3A, %lt3A : i32
    %jit3A = arith.constant 1 : i32
    %jit3A_2 = arith.constant 0 : i32
    %select_n3A = arith.select %lt3A_1, %jit3A, %jit3A_2 : i32
    %add3A_3 = arith.constant 78 : i32
    %add3A_4 = arith.addi %add3A_3, %select_n3A : i32
    %mul3A_5 = arith.constant 78 : i32
    %mul3A_6 = arith.muli %add3A, %mul3A_5 : i32
    %min3A = arith.constant 4 : i32
    %min3A_7 = arith.minsi %add3A, %min3A : i32
    %add3A_8 = arith.addi %mul3A_6, %min3A_7 : i32
    %rem3A = arith.constant 8 : i32
    %rem3A_9 = arith.remsi %add3A_8, %rem3A : i32
    %sub3A = arith.subi %add3A_8, %rem3A_9 : i32
    %multiple_of3A = tpu.assume_multiple %sub3A, 8 : i32
    %sub3A_10 = arith.subi %add3A_8, %multiple_of3A : i32
    %dma_start3A = arith.constant 0 : i32
    %dma_start3A_11 = tpu.memref_slice %arg3[%multiple_of3A, %dma_start3A] : memref<2504x128xi32, #tpu.memory_space<hbm>> -> memref<88x128xi32, #tpu.memory_space<hbm>>
    %dma_start3A_12 = arith.constant 0 : i32
    %dma_start3A_13 = tpu.memref_slice %arg3[%multiple_of3A, %dma_start3A_12] : memref<2504x128xi32, #tpu.memory_space<hbm>> -> memref<88x128xi32, #tpu.memory_space<hbm>>
    tpu.enqueue_dma source(%dma_start3A_13 : memref<88x128xi32, #tpu.memory_space<hbm>>) target(%arg5 : memref<88x128xi32, #tpu.memory_space<vmem>>) target_semaphore(%arg10 : memref<!tpu.dma_semaphore, #tpu.memory_space<semaphore_mem>>)
    %add3A_14 = arith.constant 0 : i32
    %add3A_15 = arith.addi %add3A_8, %add3A_14 : i32
    %mul3A_16 = arith.constant 128 : i32
    %mul3A_17 = arith.muli %add3A_15, %mul3A_16 : i32
    %dma_start3A_18 = arith.constant 0 : i32
    %dma_start3A_19 = tpu.memref_slice %arg2[%mul3A_17, %dma_start3A_18] : memref<320000x128xf32, #tpu.memory_space<hbm>> -> memref<128x128xf32, #tpu.memory_space<hbm>>
    %dma_start3A_20 = arith.constant 0 : i32
    %dma_start3A_21 = tpu.memref_slice %arg2[%mul3A_17, %dma_start3A_20] : memref<320000x128xf32, #tpu.memory_space<hbm>> -> memref<128x128xf32, #tpu.memory_space<hbm>>
    tpu.enqueue_dma source(%dma_start3A_21 : memref<128x128xf32, #tpu.memory_space<hbm>>) target(%arg6 : memref<128x128xf32, #tpu.memory_space<vmem>>) target_semaphore(%arg9 : memref<!tpu.dma_semaphore, #tpu.memory_space<semaphore_mem>>)
    %scan3A = arith.constant 0 : i32
    %scan3A_22 = arith.constant 0 : i32
    %scan3A_23 = arith.constant 128 : i32
    %scan3A_24 = arith.addi %scan3A_22, %scan3A_23 : i32
    %scan3A_25 = arith.constant 1 : i32
    %scan3A_26 = scf.for %scan3A_123 = %scan3A_22 to %scan3A_24 step %scan3A_25 iter_args(%scan3A_124 = %scan3A) -> (i32)  : i32 {
      %broadcast_in_dim3A = arith.constant 0.000000e+00 : f32
      %broadcast_in_dim3A_125 = vector.broadcast %broadcast_in_dim3A : f32 to vector<16xf32>
      %swap3A = arith.index_cast %scan3A_123 : i32 to index
      %swap3A_126 = arith.constant 0 : index
      %swap3A_127 = tpu.vector_load %arg7[%swap3A, %swap3A_126] {strides = array<i32>} : memref<128x128xf32, #tpu.memory_space<vmem>>, vector<1x16xf32>,
      %swap3A_128 = vector.shape_cast %swap3A_127 : vector<1x16xf32> to vector<16xf32>
      %swap3A_129 = vector.shape_cast %broadcast_in_dim3A_125 : vector<16xf32> to vector<1x16xf32>
      tpu.vector_store %arg7[%swap3A, %swap3A_126], %swap3A_129 {strides = array<i32>} : memref<128x128xf32, #tpu.memory_space<vmem>>, vector<1x16xf32>,
      %broadcast_in_dim3A_130 = arith.constant 0.000000e+00 : f32
      %broadcast_in_dim3A_131 = vector.broadcast %broadcast_in_dim3A_130 : f32 to vector<16xf32>
      %swap3A_132 = arith.index_cast %scan3A_123 : i32 to index
      %swap3A_133 = arith.constant 16 : index
      %swap3A_134 = tpu.vector_load %arg7[%swap3A_132, %swap3A_133] {strides = array<i32>} : memref<128x128xf32, #tpu.memory_space<vmem>>, vector<1x16xf32>,
      %swap3A_135 = vector.shape_cast %swap3A_134 : vector<1x16xf32> to vector<16xf32>
      %swap3A_136 = vector.shape_cast %broadcast_in_dim3A_131 : vector<16xf32> to vector<1x16xf32>
      tpu.vector_store %arg7[%swap3A_132, %swap3A_133], %swap3A_136 {strides = array<i32>} : memref<128x128xf32, #tpu.memory_space<vmem>>, vector<1x16xf32>,
      %broadcast_in_dim3A_137 = arith.constant 0.000000e+00 : f32
      %broadcast_in_dim3A_138 = vector.broadcast %broadcast_in_dim3A_137 : f32 to vector<16xf32>
      %swap3A_139 = arith.index_cast %scan3A_123 : i32 to index
      %swap3A_140 = arith.constant 32 : index
      %swap3A_141 = tpu.vector_load %arg7[%swap3A_139, %swap3A_140] {strides = array<i32>} : memref<128x128xf32, #tpu.memory_space<vmem>>, vector<1x16xf32>,
      %swap3A_142 = vector.shape_cast %swap3A_141 : vector<1x16xf32> to vector<16xf32>
      %swap3A_143 = vector.shape_cast %broadcast_in_dim3A_138 : vector<16xf32> to vector<1x16xf32>
      tpu.vector_store %arg7[%swap3A_139, %swap3A_140], %swap3A_143 {strides = array<i32>} : memref<128x128xf32, #tpu.memory_space<vmem>>, vector<1x16xf32>,
      %broadcast_in_dim3A_144 = arith.constant 0.000000e+00 : f32
      %broadcast_in_dim3A_145 = vector.broadcast %broadcast_in_dim3A_144 : f32 to vector<16xf32>
      %swap3A_146 = arith.index_cast %scan3A_123 : i32 to index
      %swap3A_147 = arith.constant 48 : index
      %swap3A_148 = tpu.vector_load %arg7[%swap3A_146, %swap3A_147] {strides = array<i32>} : memref<128x128xf32, #tpu.memory_space<vmem>>, vector<1x16xf32>,
      %swap3A_149 = vector.shape_cast %swap3A_148 : vector<1x16xf32> to vector<16xf32>
      %swap3A_150 = vector.shape_cast %broadcast_in_dim3A_145 : vector<16xf32> to vector<1x16xf32>
      tpu.vector_store %arg7[%swap3A_146, %swap3A_147], %swap3A_150 {strides = array<i32>} : memref<128x128xf32, #tpu.memory_space<vmem>>, vector<1x16xf32>,
      %broadcast_in_dim3A_151 = arith.constant 0.000000e+00 : f32
      %broadcast_in_dim3A_152 = vector.broadcast %broadcast_in_dim3A_151 : f32 to vector<16xf32>
      %swap3A_153 = arith.index_cast %scan3A_123 : i32 to index
      %swap3A_154 = arith.constant 64 : index
      %swap3A_155 = tpu.vector_load %arg7[%swap3A_153, %swap3A_154] {strides = array<i32>} : memref<128x128xf32, #tpu.memory_space<vmem>>, vector<1x16xf32>,
      %swap3A_156 = vector.shape_cast %swap3A_155 : vector<1x16xf32> to vector<16xf32>
      %swap3A_157 = vector.shape_cast %broadcast_in_dim3A_152 : vector<16xf32> to vector<1x16xf32>
      tpu.vector_store %arg7[%swap3A_153, %swap3A_154], %swap3A_157 {strides = array<i32>} : memref<128x128xf32, #tpu.memory_space<vmem>>, vector<1x16xf32>,
      %broadcast_in_dim3A_158 = arith.constant 0.000000e+00 : f32
      %broadcast_in_dim3A_159 = vector.broadcast %broadcast_in_dim3A_158 : f32 to vector<16xf32>
      %swap3A_160 = arith.index_cast %scan3A_123 : i32 to index
      %swap3A_161 = arith.constant 80 : index
      %swap3A_162 = tpu.vector_load %arg7[%swap3A_160, %swap3A_161] {strides = array<i32>} : memref<128x128xf32, #tpu.memory_space<vmem>>, vector<1x16xf32>,
      %swap3A_163 = vector.shape_cast %swap3A_162 : vector<1x16xf32> to vector<16xf32>
      %swap3A_164 = vector.shape_cast %broadcast_in_dim3A_159 : vector<16xf32> to vector<1x16xf32>
      tpu.vector_store %arg7[%swap3A_160, %swap3A_161], %swap3A_164 {strides = array<i32>} : memref<128x128xf32, #tpu.memory_space<vmem>>, vector<1x16xf32>,
      %broadcast_in_dim3A_165 = arith.constant 0.000000e+00 : f32
      %broadcast_in_dim3A_166 = vector.broadcast %broadcast_in_dim3A_165 : f32 to vector<16xf32>
      %swap3A_167 = arith.index_cast %scan3A_123 : i32 to index
      %swap3A_168 = arith.constant 96 : index
      %swap3A_169 = tpu.vector_load %arg7[%swap3A_167, %swap3A_168] {strides = array<i32>} : memref<128x128xf32, #tpu.memory_space<vmem>>, vector<1x16xf32>,
      %swap3A_170 = vector.shape_cast %swap3A_169 : vector<1x16xf32> to vector<16xf32>
      %swap3A_171 = vector.shape_cast %broadcast_in_dim3A_166 : vector<16xf32> to vector<1x16xf32>
      tpu.vector_store %arg7[%swap3A_167, %swap3A_168], %swap3A_171 {strides = array<i32>} : memref<128x128xf32, #tpu.memory_space<vmem>>, vector<1x16xf32>,
      %broadcast_in_dim3A_172 = arith.constant 0.000000e+00 : f32
      %broadcast_in_dim3A_173 = vector.broadcast %broadcast_in_dim3A_172 : f32 to vector<16xf32>
      %swap3A_174 = arith.index_cast %scan3A_123 : i32 to index
      %swap3A_175 = arith.constant 112 : index
      %swap3A_176 = tpu.vector_load %arg7[%swap3A_174, %swap3A_175] {strides = array<i32>} : memref<128x128xf32, #tpu.memory_space<vmem>>, vector<1x16xf32>,
      %swap3A_177 = vector.shape_cast %swap3A_176 : vector<1x16xf32> to vector<16xf32>
      %swap3A_178 = vector.shape_cast %broadcast_in_dim3A_173 : vector<16xf32> to vector<1x16xf32>
      tpu.vector_store %arg7[%swap3A_174, %swap3A_175], %swap3A_178 {strides = array<i32>} : memref<128x128xf32, #tpu.memory_space<vmem>>, vector<1x16xf32>,
      %scan3A_179 = arith.constant 0 : i32
      scf.yield %scan3A_179 : i32
    }
    %scan3A_27 = arith.constant 128 : i32
    %mul3A_28 = arith.constant 632 : i32
    %mul3A_29 = arith.muli %arg1, %mul3A_28 : i32
    %add3A_30 = arith.constant 0 : i32
    %add3A_31 = arith.addi %mul3A_29, %add3A_30 : i32
    %dma_start3A_32 = arith.constant 0 : i32
    %dma_start3A_33 = tpu.memref_slice %arg8[%add3A_31, %dma_start3A_32] : memref<10112x128xf32, #tpu.memory_space<vmem_shared>> -> memref<128x128xf32, #tpu.memory_space<vmem_shared>>
    %dma_start3A_34 = arith.constant 0 : i32
    %dma_start3A_35 = tpu.memref_slice %arg8[%add3A_31, %dma_start3A_34] : memref<10112x128xf32, #tpu.memory_space<vmem_shared>> -> memref<128x128xf32, #tpu.memory_space<vmem_shared>>
    tpu.enqueue_dma source(%arg7 : memref<128x128xf32, #tpu.memory_space<vmem>>) target(%dma_start3A_35 : memref<128x128xf32, #tpu.memory_space<vmem_shared>>) target_semaphore(%arg10 : memref<!tpu.dma_semaphore, #tpu.memory_space<semaphore_mem>>)
    %add3A_36 = arith.constant 128 : i32
    %add3A_37 = arith.addi %mul3A_29, %add3A_36 : i32
    %dma_start3A_38 = arith.constant 0 : i32
    %dma_start3A_39 = tpu.memref_slice %arg8[%add3A_37, %dma_start3A_38] : memref<10112x128xf32, #tpu.memory_space<vmem_shared>> -> memref<128x128xf32, #tpu.memory_space<vmem_shared>>
    %dma_start3A_40 = arith.constant 0 : i32
    %dma_start3A_41 = tpu.memref_slice %arg8[%add3A_37, %dma_start3A_40] : memref<10112x128xf32, #tpu.memory_space<vmem_shared>> -> memref<128x128xf32, #tpu.memory_space<vmem_shared>>
    tpu.enqueue_dma source(%arg7 : memref<128x128xf32, #tpu.memory_space<vmem>>) target(%dma_start3A_41 : memref<128x128xf32, #tpu.memory_space<vmem_shared>>) target_semaphore(%arg10 : memref<!tpu.dma_semaphore, #tpu.memory_space<semaphore_mem>>)
    %add3A_42 = arith.constant 256 : i32
    %add3A_43 = arith.addi %mul3A_29, %add3A_42 : i32
    %dma_start3A_44 = arith.constant 0 : i32
    %dma_start3A_45 = tpu.memref_slice %arg8[%add3A_43, %dma_start3A_44] : memref<10112x128xf32, #tpu.memory_space<vmem_shared>> -> memref<128x128xf32, #tpu.memory_space<vmem_shared>>
    %dma_start3A_46 = arith.constant 0 : i32
    %dma_start3A_47 = tpu.memref_slice %arg8[%add3A_43, %dma_start3A_46] : memref<10112x128xf32, #tpu.memory_space<vmem_shared>> -> memref<128x128xf32, #tpu.memory_space<vmem_shared>>
    tpu.enqueue_dma source(%arg7 : memref<128x128xf32, #tpu.memory_space<vmem>>) target(%dma_start3A_47 : memref<128x128xf32, #tpu.memory_space<vmem_shared>>) target_semaphore(%arg10 : memref<!tpu.dma_semaphore, #tpu.memory_space<semaphore_mem>>)
    %add3A_48 = arith.constant 384 : i32
    %add3A_49 = arith.addi %mul3A_29, %add3A_48 : i32
    %dma_start3A_50 = arith.constant 0 : i32
    %dma_start3A_51 = tpu.memref_slice %arg8[%add3A_49, %dma_start3A_50] : memref<10112x128xf32, #tpu.memory_space<vmem_shared>> -> memref<128x128xf32, #tpu.memory_space<vmem_shared>>
    %dma_start3A_52 = arith.constant 0 : i32
    %dma_start3A_53 = tpu.memref_slice %arg8[%add3A_49, %dma_start3A_52] : memref<10112x128xf32, #tpu.memory_space<vmem_shared>> -> memref<128x128xf32, #tpu.memory_space<vmem_shared>>
    tpu.enqueue_dma source(%arg7 : memref<128x128xf32, #tpu.memory_space<vmem>>) target(%dma_start3A_53 : memref<128x128xf32, #tpu.memory_space<vmem_shared>>) target_semaphore(%arg10 : memref<!tpu.dma_semaphore, #tpu.memory_space<semaphore_mem>>)
    %add3A_54 = arith.constant 512 : i32
    %add3A_55 = arith.addi %mul3A_29, %add3A_54 : i32
    %dma_start3A_56 = arith.constant 0 : i32
    %dma_start3A_57 = arith.constant 0 : i32
    %dma_start3A_58 = tpu.memref_slice %arg7[%dma_start3A_56, %dma_start3A_57] : memref<128x128xf32, #tpu.memory_space<vmem>> -> memref<120x128xf32, #tpu.memory_space<vmem>>
    %dma_start3A_59 = arith.constant 0 : i32
    %dma_start3A_60 = tpu.memref_slice %arg8[%add3A_55, %dma_start3A_59] : memref<10112x128xf32, #tpu.memory_space<vmem_shared>> -> memref<120x128xf32, #tpu.memory_space<vmem_shared>>
    %dma_start3A_61 = arith.constant 0 : i32
    %dma_start3A_62 = tpu.memref_slice %arg8[%add3A_55, %dma_start3A_61] : memref<10112x128xf32, #tpu.memory_space<vmem_shared>> -> memref<120x128xf32, #tpu.memory_space<vmem_shared>>
    %dma_start3A_63 = arith.constant 0 : i32
    %dma_start3A_64 = arith.constant 0 : i32
    %dma_start3A_65 = tpu.memref_slice %arg7[%dma_start3A_63, %dma_start3A_64] : memref<128x128xf32, #tpu.memory_space<vmem>> -> memref<120x128xf32, #tpu.memory_space<vmem>>
    tpu.enqueue_dma source(%dma_start3A_65 : memref<120x128xf32, #tpu.memory_space<vmem>>) target(%dma_start3A_62 : memref<120x128xf32, #tpu.memory_space<vmem_shared>>) target_semaphore(%arg10 : memref<!tpu.dma_semaphore, #tpu.memory_space<semaphore_mem>>)
    %add3A_66 = arith.constant 0 : i32
    %add3A_67 = arith.addi %mul3A_29, %add3A_66 : i32
    %dma_wait3A = arith.constant 0 : i32
    %dma_wait3A_68 = tpu.memref_slice %arg8[%add3A_67, %dma_wait3A] : memref<10112x128xf32, #tpu.memory_space<vmem_shared>> -> memref<128x128xf32, #tpu.memory_space<vmem_shared>>
    %dma_wait3A_69 = arith.constant 0 : i32
    %dma_wait3A_70 = tpu.memref_slice %arg8[%add3A_67, %dma_wait3A_69] : memref<10112x128xf32, #tpu.memory_space<vmem_shared>> -> memref<128x128xf32, #tpu.memory_space<vmem_shared>>
    tpu.wait_dma2 semaphore(%arg10 : memref<!tpu.dma_semaphore, #tpu.memory_space<semaphore_mem>>) src(%arg7 : memref<128x128xf32, #tpu.memory_space<vmem>>) dst(%dma_wait3A_70 : memref<128x128xf32, #tpu.memory_space<vmem_shared>>)
    %add3A_71 = arith.constant 128 : i32
    %add3A_72 = arith.addi %mul3A_29, %add3A_71 : i32
    %dma_wait3A_73 = arith.constant 0 : i32
    %dma_wait3A_74 = tpu.memref_slice %arg8[%add3A_72, %dma_wait3A_73] : memref<10112x128xf32, #tpu.memory_space<vmem_shared>> -> memref<128x128xf32, #tpu.memory_space<vmem_shared>>
    %dma_wait3A_75 = arith.constant 0 : i32
    %dma_wait3A_76 = tpu.memref_slice %arg8[%add3A_72, %dma_wait3A_75] : memref<10112x128xf32, #tpu.memory_space<vmem_shared>> -> memref<128x128xf32, #tpu.memory_space<vmem_shared>>
    tpu.wait_dma2 semaphore(%arg10 : memref<!tpu.dma_semaphore, #tpu.memory_space<semaphore_mem>>) src(%arg7 : memref<128x128xf32, #tpu.memory_space<vmem>>) dst(%dma_wait3A_76 : memref<128x128xf32, #tpu.memory_space<vmem_shared>>)
    %add3A_77 = arith.constant 256 : i32
    %add3A_78 = arith.addi %mul3A_29, %add3A_77 : i32
    %dma_wait3A_79 = arith.constant 0 : i32
    %dma_wait3A_80 = tpu.memref_slice %arg8[%add3A_78, %dma_wait3A_79] : memref<10112x128xf32, #tpu.memory_space<vmem_shared>> -> memref<128x128xf32, #tpu.memory_space<vmem_shared>>
    %dma_wait3A_81 = arith.constant 0 : i32
    %dma_wait3A_82 = tpu.memref_slice %arg8[%add3A_78, %dma_wait3A_81] : memref<10112x128xf32, #tpu.memory_space<vmem_shared>> -> memref<128x128xf32, #tpu.memory_space<vmem_shared>>
    tpu.wait_dma2 semaphore(%arg10 : memref<!tpu.dma_semaphore, #tpu.memory_space<semaphore_mem>>) src(%arg7 : memref<128x128xf32, #tpu.memory_space<vmem>>) dst(%dma_wait3A_82 : memref<128x128xf32, #tpu.memory_space<vmem_shared>>)
    %add3A_83 = arith.constant 384 : i32
    %add3A_84 = arith.addi %mul3A_29, %add3A_83 : i32
    %dma_wait3A_85 = arith.constant 0 : i32
    %dma_wait3A_86 = tpu.memref_slice %arg8[%add3A_84, %dma_wait3A_85] : memref<10112x128xf32, #tpu.memory_space<vmem_shared>> -> memref<128x128xf32, #tpu.memory_space<vmem_shared>>
    %dma_wait3A_87 = arith.constant 0 : i32
    %dma_wait3A_88 = tpu.memref_slice %arg8[%add3A_84, %dma_wait3A_87] : memref<10112x128xf32, #tpu.memory_space<vmem_shared>> -> memref<128x128xf32, #tpu.memory_space<vmem_shared>>
    tpu.wait_dma2 semaphore(%arg10 : memref<!tpu.dma_semaphore, #tpu.memory_space<semaphore_mem>>) src(%arg7 : memref<128x128xf32, #tpu.memory_space<vmem>>) dst(%dma_wait3A_88 : memref<128x128xf32, #tpu.memory_space<vmem_shared>>)
    %add3A_89 = arith.constant 512 : i32
    %add3A_90 = arith.addi %mul3A_29, %add3A_89 : i32
    %dma_wait3A_91 = arith.constant 0 : i32
    %dma_wait3A_92 = arith.constant 0 : i32
    %dma_wait3A_93 = tpu.memref_slice %arg7[%dma_wait3A_91, %dma_wait3A_92] : memref<128x128xf32, #tpu.memory_space<vmem>> -> memref<120x128xf32, #tpu.memory_space<vmem>>
    %dma_wait3A_94 = arith.constant 0 : i32
    %dma_wait3A_95 = tpu.memref_slice %arg8[%add3A_90, %dma_wait3A_94] : memref<10112x128xf32, #tpu.memory_space<vmem_shared>> -> memref<120x128xf32, #tpu.memory_space<vmem_shared>>
    %dma_wait3A_96 = arith.constant 0 : i32
    %dma_wait3A_97 = tpu.memref_slice %arg8[%add3A_90, %dma_wait3A_96] : memref<10112x128xf32, #tpu.memory_space<vmem_shared>> -> memref<120x128xf32, #tpu.memory_space<vmem_shared>>
    %dma_wait3A_98 = arith.constant 0 : i32
    %dma_wait3A_99 = arith.constant 0 : i32
    %dma_wait3A_100 = tpu.memref_slice %arg7[%dma_wait3A_98, %dma_wait3A_99] : memref<128x128xf32, #tpu.memory_space<vmem>> -> memref<120x128xf32, #tpu.memory_space<vmem>>
    tpu.wait_dma2 semaphore(%arg10 : memref<!tpu.dma_semaphore, #tpu.memory_space<semaphore_mem>>) src(%dma_wait3A_100 : memref<120x128xf32, #tpu.memory_space<vmem>>) dst(%dma_wait3A_97 : memref<120x128xf32, #tpu.memory_space<vmem_shared>>)
    %dma_wait3A_101 = arith.constant 0 : i32
    %dma_wait3A_102 = arith.constant 0 : i32
    %dma_wait3A_103 = tpu.memref_slice %arg3[%dma_wait3A_101, %dma_wait3A_102] : memref<2504x128xi32, #tpu.memory_space<hbm>> -> memref<88x128xi32, #tpu.memory_space<hbm>>
    %dma_wait3A_104 = arith.constant 0 : i32
    %dma_wait3A_105 = arith.constant 0 : i32
    %dma_wait3A_106 = tpu.memref_slice %arg3[%dma_wait3A_104, %dma_wait3A_105] : memref<2504x128xi32, #tpu.memory_space<hbm>> -> memref<88x128xi32, #tpu.memory_space<hbm>>
    tpu.wait_dma2 semaphore(%arg10 : memref<!tpu.dma_semaphore, #tpu.memory_space<semaphore_mem>>) src(%dma_wait3A_106 : memref<88x128xi32, #tpu.memory_space<hbm>>) dst(%arg5 : memref<88x128xi32, #tpu.memory_space<vmem>>)
    %barrier3A = arith.constant 0 : index
    tpu.barrier barrier_id(%barrier3A)
    %scan3A_107 = arith.constant 0 : i32
    %scan3A_108 = arith.constant 0 : i32
    %scan3A_109 = arith.constant 39 : i32
    %scan3A_110 = arith.addi %scan3A_108, %scan3A_109 : i32
    %scan3A_111 = arith.constant 1 : i32
    %scan3A_112 = scf.for %scan3A_123 = %scan3A_108 to %scan3A_110 step %scan3A_111 iter_args(%scan3A_124 = %scan3A_107) -> (i32)  : i32 {
      %mul3A_125 = arith.constant 2 : i32
      %mul3A_126 = arith.muli %mul3A_125, %scan3A_123 : i32
      %add3A_127 = arith.constant 1 : i32
      %add3A_128 = arith.addi %mul3A_126, %add3A_127 : i32
      %add3A_129 = arith.addi %add3A_8, %add3A_128 : i32
      %mul3A_130 = arith.constant 128 : i32
      %mul3A_131 = arith.muli %add3A_129, %mul3A_130 : i32
      %dma_start3A_132 = arith.constant 0 : i32
      %dma_start3A_133 = tpu.memref_slice %arg2[%mul3A_131, %dma_start3A_132] : memref<320000x128xf32, #tpu.memory_space<hbm>> -> memref<128x128xf32, #tpu.memory_space<hbm>>
      %dma_start3A_134 = arith.constant 0 : i32
      %dma_start3A_135 = tpu.memref_slice %arg2[%mul3A_131, %dma_start3A_134] : memref<320000x128xf32, #tpu.memory_space<hbm>> -> memref<128x128xf32, #tpu.memory_space<hbm>>
      tpu.enqueue_dma source(%dma_start3A_135 : memref<128x128xf32, #tpu.memory_space<hbm>>) target(%arg7 : memref<128x128xf32, #tpu.memory_space<vmem>>) target_semaphore(%arg10 : memref<!tpu.dma_semaphore, #tpu.memory_space<semaphore_mem>>)
      %dma_wait3A_136 = arith.constant 0 : i32
      %dma_wait3A_137 = arith.constant 0 : i32
      %dma_wait3A_138 = tpu.memref_slice %arg2[%dma_wait3A_136, %dma_wait3A_137] : memref<320000x128xf32, #tpu.memory_space<hbm>> -> memref<128x128xf32, #tpu.memory_space<hbm>>
      %dma_wait3A_139 = arith.constant 0 : i32
      %dma_wait3A_140 = arith.constant 0 : i32
      %dma_wait3A_141 = tpu.memref_slice %arg2[%dma_wait3A_139, %dma_wait3A_140] : memref<320000x128xf32, #tpu.memory_space<hbm>> -> memref<128x128xf32, #tpu.memory_space<hbm>>
      tpu.wait_dma2 semaphore(%arg9 : memref<!tpu.dma_semaphore, #tpu.memory_space<semaphore_mem>>) src(%dma_wait3A_141 : memref<128x128xf32, #tpu.memory_space<hbm>>) dst(%arg6 : memref<128x128xf32, #tpu.memory_space<vmem>>)
      %mul3A_142 = arith.constant 2 : i32
      %mul3A_143 = arith.muli %mul3A_142, %scan3A_123 : i32
      %add3A_144 = arith.addi %sub3A_10, %mul3A_143 : i32
      "tpu.region"() ({
        %run_scoped3A = tpu.sem_alloc : memref<!tpu.dma_semaphore, #tpu.memory_space<semaphore_mem>>
        %dma_start3A_171 = arith.constant 0 : i32
        %dma_start3A_172 = tpu.memref_slice %arg5[%add3A_144, %dma_start3A_171] : memref<88x128xi32, #tpu.memory_space<vmem>> -> memref<1x128xi32, #tpu.memory_space<vmem>>
        %dma_start3A_173 = tpu.memref_squeeze %dma_start3A_172 : memref<1x128xi32, #tpu.memory_space<vmem>> -> memref<128xi32, #tpu.memory_space<vmem>>
        %dma_start3A_174 = arith.constant 0 : i32
        %dma_start3A_175 = arith.constant 0 : i32
        %dma_start3A_176 = tpu.memref_slice %arg8[%dma_start3A_174, %dma_start3A_175] : memref<10112x128xf32, #tpu.memory_space<vmem_shared>> -> memref<10112x128xf32, #tpu.memory_space<vmem_shared>>
        tpu.enqueue_indirect_dma source(%arg6 : memref<128x128xf32, #tpu.memory_space<vmem>>) target(%dma_start3A_176 : memref<10112x128xf32, #tpu.memory_space<vmem_shared>>) offsets(%dma_start3A_173 : memref<128xi32, #tpu.memory_space<vmem>>) semaphore(%run_scoped3A : memref<!tpu.dma_semaphore, #tpu.memory_space<semaphore_mem>>) {add = true}
        %dma_wait3A_177 = arith.constant 0 : i32
        %dma_wait3A_178 = tpu.memref_slice %arg5[%add3A_144, %dma_wait3A_177] : memref<88x128xi32, #tpu.memory_space<vmem>> -> memref<1x128xi32, #tpu.memory_space<vmem>>
        %dma_wait3A_179 = tpu.memref_squeeze %dma_wait3A_178 : memref<1x128xi32, #tpu.memory_space<vmem>> -> memref<128xi32, #tpu.memory_space<vmem>>
        %dma_wait3A_180 = arith.constant 0 : i32
        %dma_wait3A_181 = arith.constant 0 : i32
        %dma_wait3A_182 = tpu.memref_slice %arg8[%dma_wait3A_180, %dma_wait3A_181] : memref<10112x128xf32, #tpu.memory_space<vmem_shared>> -> memref<10112x128xf32, #tpu.memory_space<vmem_shared>>
        tpu.wait_indirect_dma semaphore(%run_scoped3A : memref<!tpu.dma_semaphore, #tpu.memory_space<semaphore_mem>>) src(%arg6 : memref<128x128xf32, #tpu.memory_space<vmem>>) dst(%dma_wait3A_182 : memref<10112x128xf32, #tpu.memory_space<vmem_shared>>)
        tpu.yield
      }) : () -> ()
      %mul3A_145 = arith.constant 2 : i32
      %mul3A_146 = arith.muli %mul3A_145, %scan3A_123 : i32
      %add3A_147 = arith.constant 2 : i32
      %add3A_148 = arith.addi %mul3A_146, %add3A_147 : i32
      %sub3A_149 = arith.constant 1 : i32
      %sub3A_150 = arith.subi %add3A_4, %sub3A_149 : i32
      %min3A_151 = arith.minsi %add3A_148, %sub3A_150 : i32
      %add3A_152 = arith.addi %add3A_8, %min3A_151 : i32
      %mul3A_153 = arith.constant 128 : i32
      %mul3A_154 = arith.muli %add3A_152, %mul3A_153 : i32
      %dma_start3A_155 = arith.constant 0 : i32
      %dma_start3A_156 = tpu.memref_slice %arg2[%mul3A_154, %dma_start3A_155] : memref<320000x128xf32, #tpu.memory_space<hbm>> -> memref<128x128xf32, #tpu.memory_space<hbm>>
      %dma_start3A_157 = arith.constant 0 : i32
      %dma_start3A_158 = tpu.memref_slice %arg2[%mul3A_154, %dma_start3A_157] : memref<320000x128xf32, #tpu.memory_space<hbm>> -> memref<128x128xf32, #tpu.memory_space<hbm>>
      tpu.enqueue_dma source(%dma_start3A_158 : memref<128x128xf32, #tpu.memory_space<hbm>>) target(%arg6 : memref<128x128xf32, #tpu.memory_space<vmem>>) target_semaphore(%arg9 : memref<!tpu.dma_semaphore, #tpu.memory_space<semaphore_mem>>)
      %dma_wait3A_159 = arith.constant 0 : i32
      %dma_wait3A_160 = arith.constant 0 : i32
      %dma_wait3A_161 = tpu.memref_slice %arg2[%dma_wait3A_159, %dma_wait3A_160] : memref<320000x128xf32, #tpu.memory_space<hbm>> -> memref<128x128xf32, #tpu.memory_space<hbm>>
      %dma_wait3A_162 = arith.constant 0 : i32
      %dma_wait3A_163 = arith.constant 0 : i32
      %dma_wait3A_164 = tpu.memref_slice %arg2[%dma_wait3A_162, %dma_wait3A_163] : memref<320000x128xf32, #tpu.memory_space<hbm>> -> memref<128x128xf32, #tpu.memory_space<hbm>>
      tpu.wait_dma2 semaphore(%arg10 : memref<!tpu.dma_semaphore, #tpu.memory_space<semaphore_mem>>) src(%dma_wait3A_164 : memref<128x128xf32, #tpu.memory_space<hbm>>) dst(%arg7 : memref<128x128xf32, #tpu.memory_space<vmem>>)
      %mul3A_165 = arith.constant 2 : i32
      %mul3A_166 = arith.muli %mul3A_165, %scan3A_123 : i32
      %add3A_167 = arith.constant 1 : i32
      %add3A_168 = arith.addi %mul3A_166, %add3A_167 : i32
      %add3A_169 = arith.addi %sub3A_10, %add3A_168 : i32
      "tpu.region"() ({
        %run_scoped3A = tpu.sem_alloc : memref<!tpu.dma_semaphore, #tpu.memory_space<semaphore_mem>>
        %dma_start3A_171 = arith.constant 0 : i32
        %dma_start3A_172 = tpu.memref_slice %arg5[%add3A_169, %dma_start3A_171] : memref<88x128xi32, #tpu.memory_space<vmem>> -> memref<1x128xi32, #tpu.memory_space<vmem>>
        %dma_start3A_173 = tpu.memref_squeeze %dma_start3A_172 : memref<1x128xi32, #tpu.memory_space<vmem>> -> memref<128xi32, #tpu.memory_space<vmem>>
        %dma_start3A_174 = arith.constant 0 : i32
        %dma_start3A_175 = arith.constant 0 : i32
        %dma_start3A_176 = tpu.memref_slice %arg8[%dma_start3A_174, %dma_start3A_175] : memref<10112x128xf32, #tpu.memory_space<vmem_shared>> -> memref<10112x128xf32, #tpu.memory_space<vmem_shared>>
        tpu.enqueue_indirect_dma source(%arg7 : memref<128x128xf32, #tpu.memory_space<vmem>>) target(%dma_start3A_176 : memref<10112x128xf32, #tpu.memory_space<vmem_shared>>) offsets(%dma_start3A_173 : memref<128xi32, #tpu.memory_space<vmem>>) semaphore(%run_scoped3A : memref<!tpu.dma_semaphore, #tpu.memory_space<semaphore_mem>>) {add = true}
        %dma_wait3A_177 = arith.constant 0 : i32
        %dma_wait3A_178 = tpu.memref_slice %arg5[%add3A_169, %dma_wait3A_177] : memref<88x128xi32, #tpu.memory_space<vmem>> -> memref<1x128xi32, #tpu.memory_space<vmem>>
        %dma_wait3A_179 = tpu.memref_squeeze %dma_wait3A_178 : memref<1x128xi32, #tpu.memory_space<vmem>> -> memref<128xi32, #tpu.memory_space<vmem>>
        %dma_wait3A_180 = arith.constant 0 : i32
        %dma_wait3A_181 = arith.constant 0 : i32
        %dma_wait3A_182 = tpu.memref_slice %arg8[%dma_wait3A_180, %dma_wait3A_181] : memref<10112x128xf32, #tpu.memory_space<vmem_shared>> -> memref<10112x128xf32, #tpu.memory_space<vmem_shared>>
        tpu.wait_indirect_dma semaphore(%run_scoped3A : memref<!tpu.dma_semaphore, #tpu.memory_space<semaphore_mem>>) src(%arg7 : memref<128x128xf32, #tpu.memory_space<vmem>>) dst(%dma_wait3A_182 : memref<10112x128xf32, #tpu.memory_space<vmem_shared>>)
        tpu.yield
      }) : () -> ()
      %scan3A_170 = arith.constant 0 : i32
      scf.yield %scan3A_170 : i32
    }
    %scan3A_113 = arith.constant 39 : i32
    %dma_wait3A_114 = arith.constant 0 : i32
    %dma_wait3A_115 = arith.constant 0 : i32
    %dma_wait3A_116 = tpu.memref_slice %arg2[%dma_wait3A_114, %dma_wait3A_115] : memref<320000x128xf32, #tpu.memory_space<hbm>> -> memref<128x128xf32, #tpu.memory_space<hbm>>
    %dma_wait3A_117 = arith.constant 0 : i32
    %dma_wait3A_118 = arith.constant 0 : i32
    %dma_wait3A_119 = tpu.memref_slice %arg2[%dma_wait3A_117, %dma_wait3A_118] : memref<320000x128xf32, #tpu.memory_space<hbm>> -> memref<128x128xf32, #tpu.memory_space<hbm>>
    tpu.wait_dma2 semaphore(%arg9 : memref<!tpu.dma_semaphore, #tpu.memory_space<semaphore_mem>>) src(%dma_wait3A_119 : memref<128x128xf32, #tpu.memory_space<hbm>>) dst(%arg6 : memref<128x128xf32, #tpu.memory_space<vmem>>)
    %gt3A = arith.constant 78 : i32
    %gt3A_120 = arith.cmpi sgt, %add3A_4, %gt3A : i32
    %convert_element_type3A = arith.extui %gt3A_120 : i1 to i32
    %cond3A = arith.constant 0 : i32
    %cond3A_121 = arith.cmpi ne, %convert_element_type3A, %cond3A : i32
    scf.if %cond3A_121 {
      %add3A_123 = arith.constant 78 : i32
      %add3A_124 = arith.addi %sub3A_10, %add3A_123 : i32
      "tpu.region"() ({
        %run_scoped3A = tpu.sem_alloc : memref<!tpu.dma_semaphore, #tpu.memory_space<semaphore_mem>>
        %dma_start3A_125 = arith.constant 0 : i32
        %dma_start3A_126 = tpu.memref_slice %arg5[%add3A_124, %dma_start3A_125] : memref<88x128xi32, #tpu.memory_space<vmem>> -> memref<1x128xi32, #tpu.memory_space<vmem>>
        %dma_start3A_127 = tpu.memref_squeeze %dma_start3A_126 : memref<1x128xi32, #tpu.memory_space<vmem>> -> memref<128xi32, #tpu.memory_space<vmem>>
        %dma_start3A_128 = arith.constant 0 : i32
        %dma_start3A_129 = arith.constant 0 : i32
        %dma_start3A_130 = tpu.memref_slice %arg8[%dma_start3A_128, %dma_start3A_129] : memref<10112x128xf32, #tpu.memory_space<vmem_shared>> -> memref<10112x128xf32, #tpu.memory_space<vmem_shared>>
        tpu.enqueue_indirect_dma source(%arg6 : memref<128x128xf32, #tpu.memory_space<vmem>>) target(%dma_start3A_130 : memref<10112x128xf32, #tpu.memory_space<vmem_shared>>) offsets(%dma_start3A_127 : memref<128xi32, #tpu.memory_space<vmem>>) semaphore(%run_scoped3A : memref<!tpu.dma_semaphore, #tpu.memory_space<semaphore_mem>>) {add = true}
        %dma_wait3A_131 = arith.constant 0 : i32
        %dma_wait3A_132 = tpu.memref_slice %arg5[%add3A_124, %dma_wait3A_131] : memref<88x128xi32, #tpu.memory_space<vmem>> -> memref<1x128xi32, #tpu.memory_space<vmem>>
        %dma_wait3A_133 = tpu.memref_squeeze %dma_wait3A_132 : memref<1x128xi32, #tpu.memory_space<vmem>> -> memref<128xi32, #tpu.memory_space<vmem>>
        %dma_wait3A_134 = arith.constant 0 : i32
        %dma_wait3A_135 = arith.constant 0 : i32
        %dma_wait3A_136 = tpu.memref_slice %arg8[%dma_wait3A_134, %dma_wait3A_135] : memref<10112x128xf32, #tpu.memory_space<vmem_shared>> -> memref<10112x128xf32, #tpu.memory_space<vmem_shared>>
        tpu.wait_indirect_dma semaphore(%run_scoped3A : memref<!tpu.dma_semaphore, #tpu.memory_space<semaphore_mem>>) src(%arg6 : memref<128x128xf32, #tpu.memory_space<vmem>>) dst(%dma_wait3A_136 : memref<10112x128xf32, #tpu.memory_space<vmem_shared>>)
        tpu.yield
      }) : () -> ()
    } else {
    }
    %barrier3A_122 = arith.constant 0 : index
    tpu.barrier barrier_id(%barrier3A_122)
    "tpu.region"() ({
      %run_scoped3A = tpu.sem_alloc : memref<!tpu.dma_semaphore, #tpu.memory_space<semaphore_mem>>
      %dma_start3A_123 = arith.constant 0 : i32
      %dma_start3A_124 = tpu.memref_slice %arg4[%arg0, %mul3A_29, %dma_start3A_123] : memref<2x10112x128xf32, #tpu.memory_space<hbm>> -> memref<1x632x128xf32, #tpu.memory_space<hbm>>
      %dma_start3A_125 = tpu.memref_squeeze %dma_start3A_124 : memref<1x632x128xf32, #tpu.memory_space<hbm>> -> memref<632x128xf32, #tpu.memory_space<hbm>>
      %dma_start3A_126 = arith.constant 0 : i32
      %dma_start3A_127 = tpu.memref_slice %arg8[%mul3A_29, %dma_start3A_126] : memref<10112x128xf32, #tpu.memory_space<vmem_shared>> -> memref<632x128xf32, #tpu.memory_space<vmem_shared>>
      tpu.enqueue_dma source(%dma_start3A_127 : memref<632x128xf32, #tpu.memory_space<vmem_shared>>) target(%dma_start3A_125 : memref<632x128xf32, #tpu.memory_space<hbm>>) target_semaphore(%run_scoped3A : memref<!tpu.dma_semaphore, #tpu.memory_space<semaphore_mem>>)
      %dma_wait3A_128 = arith.constant 0 : i32
      %dma_wait3A_129 = tpu.memref_slice %arg4[%arg0, %mul3A_29, %dma_wait3A_128] : memref<2x10112x128xf32, #tpu.memory_space<hbm>> -> memref<1x632x128xf32, #tpu.memory_space<hbm>>
      %dma_wait3A_130 = tpu.memref_squeeze %dma_wait3A_129 : memref<1x632x128xf32, #tpu.memory_space<hbm>> -> memref<632x128xf32, #tpu.memory_space<hbm>>
      %dma_wait3A_131 = arith.constant 0 : i32
      %dma_wait3A_132 = tpu.memref_slice %arg8[%mul3A_29, %dma_wait3A_131] : memref<10112x128xf32, #tpu.memory_space<vmem_shared>> -> memref<632x128xf32, #tpu.memory_space<vmem_shared>>
      tpu.wait_dma2 semaphore(%run_scoped3A : memref<!tpu.dma_semaphore, #tpu.memory_space<semaphore_mem>>) src(%dma_wait3A_132 : memref<632x128xf32, #tpu.memory_space<vmem_shared>>) dst(%dma_wait3A_130 : memref<632x128xf32, #tpu.memory_space<hbm>>)
      tpu.yield
    }) : () -> ()
    return
  }
}

module attributes {stable_mosaic.version = 14 : i64} {
  func.func @body(%arg0: i32, %arg1: memref<2x2000x128xf32, #tpu.memory_space<vmem>>, %arg2: memref<2000x128xf32, #tpu.memory_space<vmem>>, %arg3: memref<128x128xf32, #tpu.memory_space<vmem>>, %arg4: memref<128x128xf32, #tpu.memory_space<vmem>>, %arg5: memref<1x128xf32, #tpu.memory_space<vmem>>, %arg6: memref<128x128xf32, #tpu.memory_space<vmem>>, %arg7: memref<1x128xf32, #tpu.memory_space<vmem>>, %arg8: memref<128x128xf32, #tpu.memory_space<vmem>>, %arg9: memref<1x128xf32, #tpu.memory_space<vmem>>, %arg10: memref<1x128xf32, #tpu.memory_space<vmem>>, %arg11: memref<1x128xf32, #tpu.memory_space<vmem>>, %arg12: memref<2000x128xf32, #tpu.memory_space<vmem>>) attributes {dimension_semantics = [#tpu.dimension_semantics<arbitrary>], iteration_bounds = array<i64: 5>, scalar_prefetch = 0 : i64, scratch_operands = 0 : i64, tpu.core_type = #tpu.core_type<tc>, window_params = [{transform_indices = @transform_0, window_bounds = array<i64: 2, 2000, 128>}, {transform_indices = @transform_1, window_bounds = array<i64: 2000, 128>}, {pipeline_mode = #tpu.pipeline_mode<synchronous>, transform_indices = @transform_2, window_bounds = array<i64: 128, 128>}, {pipeline_mode = #tpu.pipeline_mode<synchronous>, transform_indices = @transform_3, window_bounds = array<i64: 128, 128>}, {pipeline_mode = #tpu.pipeline_mode<synchronous>, transform_indices = @transform_4, window_bounds = array<i64: 1, 128>}, {pipeline_mode = #tpu.pipeline_mode<synchronous>, transform_indices = @transform_5, window_bounds = array<i64: 128, 128>}, {pipeline_mode = #tpu.pipeline_mode<synchronous>, transform_indices = @transform_6, window_bounds = array<i64: 1, 128>}, {pipeline_mode = #tpu.pipeline_mode<synchronous>, transform_indices = @transform_7, window_bounds = array<i64: 128, 128>}, {pipeline_mode = #tpu.pipeline_mode<synchronous>, transform_indices = @transform_8, window_bounds = array<i64: 1, 128>}, {pipeline_mode = #tpu.pipeline_mode<synchronous>, transform_indices = @transform_9, window_bounds = array<i64: 1, 128>}, {pipeline_mode = #tpu.pipeline_mode<synchronous>, transform_indices = @transform_10, window_bounds = array<i64: 1, 128>}, {transform_indices = @transform_11, window_bounds = array<i64: 2000, 128>}]} {
    %get3A = arith.constant 0 : index
    %get3A_0 = arith.constant 0 : index
    %get3A_1 = arith.constant 0 : index
    %get3A_2 = vector.load %arg1[%get3A, %get3A_0, %get3A_1] : memref<2x2000x128xf32, #tpu.memory_space<vmem>>, vector<1x2000x128xf32>
    %get3A_3 = vector.shape_cast %get3A_2 : vector<1x2000x128xf32> to vector<2000x128xf32>
    %get3A_4 = arith.constant 1 : index
    %get3A_5 = arith.constant 0 : index
    %get3A_6 = arith.constant 0 : index
    %get3A_7 = vector.load %arg1[%get3A_4, %get3A_5, %get3A_6] : memref<2x2000x128xf32, #tpu.memory_space<vmem>>, vector<1x2000x128xf32>
    %get3A_8 = vector.shape_cast %get3A_7 : vector<1x2000x128xf32> to vector<2000x128xf32>
    %add3A = arith.addf %get3A_3, %get3A_8 : vector<2000x128xf32>
    %get3A_9 = arith.constant 0 : index
    %get3A_10 = arith.constant 0 : index
    %get3A_11 = vector.load %arg2[%get3A_9, %get3A_10] : memref<2000x128xf32, #tpu.memory_space<vmem>>, vector<2000x128xf32>
    %get3A_12 = arith.constant 0 : index
    %get3A_13 = arith.constant 0 : index
    %get3A_14 = vector.load %arg3[%get3A_12, %get3A_13] : memref<128x128xf32, #tpu.memory_space<vmem>>, vector<128x128xf32>
    %dot_general3A = arith.constant dense<0.000000e+00> : vector<2000x128xf32>
    %dot_general3A_15 = tpu.matmul %add3A, %get3A_14, %dot_general3A {dimension_numbers = #tpu.dot_dimension_numbers<[1], [0], [0], [1], [0, 0, 1, 1], [], []>, transpose_lhs_hint = false} : vector<2000x128xf32>, vector<128x128xf32>, vector<2000x128xf32> -> vector<2000x128xf32>
    %get3A_16 = arith.constant 0 : index
    %get3A_17 = arith.constant 0 : index
    %get3A_18 = vector.load %arg4[%get3A_16, %get3A_17] : memref<128x128xf32, #tpu.memory_space<vmem>>, vector<128x128xf32>
    %dot_general3A_19 = arith.constant dense<0.000000e+00> : vector<2000x128xf32>
    %dot_general3A_20 = tpu.matmul %get3A_11, %get3A_18, %dot_general3A_19 {dimension_numbers = #tpu.dot_dimension_numbers<[1], [0], [0], [1], [0, 0, 1, 1], [], []>, transpose_lhs_hint = false} : vector<2000x128xf32>, vector<128x128xf32>, vector<2000x128xf32> -> vector<2000x128xf32>
    %add3A_21 = arith.addf %dot_general3A_15, %dot_general3A_20 : vector<2000x128xf32>
    %get3A_22 = arith.constant 0 : index
    %get3A_23 = arith.constant 0 : index
    %get3A_24 = vector.load %arg5[%get3A_22, %get3A_23] : memref<1x128xf32, #tpu.memory_space<vmem>>, vector<1x128xf32>
    %add3A_25 = vector.broadcast %get3A_24 : vector<1x128xf32> to vector<2000x128xf32>
    %add3A_26 = arith.addf %add3A_21, %add3A_25 : vector<2000x128xf32>
    %max3A = arith.constant 0.000000e+00 : f32
    %max3A_27 = vector.broadcast %max3A : f32 to vector<2000x128xf32>
    %max3A_28 = arith.maximumf %add3A_26, %max3A_27 : vector<2000x128xf32>
    %get3A_29 = arith.constant 0 : index
    %get3A_30 = arith.constant 0 : index
    %get3A_31 = vector.load %arg6[%get3A_29, %get3A_30] : memref<128x128xf32, #tpu.memory_space<vmem>>, vector<128x128xf32>
    %dot_general3A_32 = arith.constant dense<0.000000e+00> : vector<2000x128xf32>
    %dot_general3A_33 = tpu.matmul %max3A_28, %get3A_31, %dot_general3A_32 {dimension_numbers = #tpu.dot_dimension_numbers<[1], [0], [0], [1], [0, 0, 1, 1], [], []>, transpose_lhs_hint = false} : vector<2000x128xf32>, vector<128x128xf32>, vector<2000x128xf32> -> vector<2000x128xf32>
    %get3A_34 = arith.constant 0 : index
    %get3A_35 = arith.constant 0 : index
    %get3A_36 = vector.load %arg7[%get3A_34, %get3A_35] : memref<1x128xf32, #tpu.memory_space<vmem>>, vector<1x128xf32>
    %add3A_37 = vector.broadcast %get3A_36 : vector<1x128xf32> to vector<2000x128xf32>
    %add3A_38 = arith.addf %dot_general3A_33, %add3A_37 : vector<2000x128xf32>
    %max3A_39 = arith.constant 0.000000e+00 : f32
    %max3A_40 = vector.broadcast %max3A_39 : f32 to vector<2000x128xf32>
    %max3A_41 = arith.maximumf %add3A_38, %max3A_40 : vector<2000x128xf32>
    %get3A_42 = arith.constant 0 : index
    %get3A_43 = arith.constant 0 : index
    %get3A_44 = vector.load %arg8[%get3A_42, %get3A_43] : memref<128x128xf32, #tpu.memory_space<vmem>>, vector<128x128xf32>
    %dot_general3A_45 = arith.constant dense<0.000000e+00> : vector<2000x128xf32>
    %dot_general3A_46 = tpu.matmul %max3A_41, %get3A_44, %dot_general3A_45 {dimension_numbers = #tpu.dot_dimension_numbers<[1], [0], [0], [1], [0, 0, 1, 1], [], []>, transpose_lhs_hint = false} : vector<2000x128xf32>, vector<128x128xf32>, vector<2000x128xf32> -> vector<2000x128xf32>
    %get3A_47 = arith.constant 0 : index
    %get3A_48 = arith.constant 0 : index
    %get3A_49 = vector.load %arg9[%get3A_47, %get3A_48] : memref<1x128xf32, #tpu.memory_space<vmem>>, vector<1x128xf32>
    %add3A_50 = vector.broadcast %get3A_49 : vector<1x128xf32> to vector<2000x128xf32>
    %add3A_51 = arith.addf %dot_general3A_46, %add3A_50 : vector<2000x128xf32>
    %reduce_sum3A = arith.constant dense<0.000000e+00> : vector<2000xf32>
    %reduce_sum3A_52 = vector.multi_reduction <add>, %add3A_51, %reduce_sum3A [1] : vector<2000x128xf32> to vector<2000xf32>
    %broadcast_in_dim3A = vector.shape_cast %reduce_sum3A_52 : vector<2000xf32> to vector<2000x1xf32>
    %div3A = arith.constant 1.280000e+02 : f32
    %div3A_53 = vector.broadcast %div3A : f32 to vector<2000x1xf32>
    %div3A_54 = arith.divf %broadcast_in_dim3A, %div3A_53 : vector<2000x1xf32>
    %sub3A = vector.broadcast %div3A_54 : vector<2000x1xf32> to vector<2000x128xf32>
    %sub3A_55 = arith.subf %add3A_51, %sub3A : vector<2000x128xf32>
    %mul3A = arith.mulf %sub3A_55, %sub3A_55 : vector<2000x128xf32>
    %reduce_sum3A_56 = arith.constant dense<0.000000e+00> : vector<2000xf32>
    %reduce_sum3A_57 = vector.multi_reduction <add>, %mul3A, %reduce_sum3A_56 [1] : vector<2000x128xf32> to vector<2000xf32>
    %broadcast_in_dim3A_58 = vector.shape_cast %reduce_sum3A_57 : vector<2000xf32> to vector<2000x1xf32>
    %div3A_59 = arith.constant 1.280000e+02 : f32
    %div3A_60 = vector.broadcast %div3A_59 : f32 to vector<2000x1xf32>
    %div3A_61 = arith.divf %broadcast_in_dim3A_58, %div3A_60 : vector<2000x1xf32>
    %add3A_62 = arith.constant 9.99999974E-6 : f32
    %add3A_63 = vector.broadcast %add3A_62 : f32 to vector<2000x1xf32>
    %add3A_64 = arith.addf %div3A_61, %add3A_63 : vector<2000x1xf32>
    %rsqrt3A = math.rsqrt %add3A_64 : vector<2000x1xf32>
    %mul3A_65 = vector.broadcast %rsqrt3A : vector<2000x1xf32> to vector<2000x128xf32>
    %mul3A_66 = arith.mulf %sub3A_55, %mul3A_65 : vector<2000x128xf32>
    %get3A_67 = arith.constant 0 : index
    %get3A_68 = arith.constant 0 : index
    %get3A_69 = vector.load %arg10[%get3A_67, %get3A_68] : memref<1x128xf32, #tpu.memory_space<vmem>>, vector<1x128xf32>
    %mul3A_70 = vector.broadcast %get3A_69 : vector<1x128xf32> to vector<2000x128xf32>
    %mul3A_71 = arith.mulf %mul3A_66, %mul3A_70 : vector<2000x128xf32>
    %get3A_72 = arith.constant 0 : index
    %get3A_73 = arith.constant 0 : index
    %get3A_74 = vector.load %arg11[%get3A_72, %get3A_73] : memref<1x128xf32, #tpu.memory_space<vmem>>, vector<1x128xf32>
    %add3A_75 = vector.broadcast %get3A_74 : vector<1x128xf32> to vector<2000x128xf32>
    %add3A_76 = arith.addf %mul3A_71, %add3A_75 : vector<2000x128xf32>
    %add3A_77 = arith.addf %add3A_76, %get3A_11 : vector<2000x128xf32>
    %swap3A = arith.constant 0 : index
    %swap3A_78 = arith.constant 0 : index
    %swap3A_79 = vector.load %arg12[%swap3A, %swap3A_78] : memref<2000x128xf32, #tpu.memory_space<vmem>>, vector<2000x128xf32>
    tpu.vector_store %arg12[%swap3A, %swap3A_78], %add3A_77 {strides = array<i32>} : memref<2000x128xf32, #tpu.memory_space<vmem>>, vector<2000x128xf32>,
    return
  }
  func.func @transform_0(%arg0: i32) -> (i32, i32, i32) {
    %c0_i32 = arith.constant 0 : i32
    %c0_i32_0 = arith.constant 0 : i32
    %c0_i32_1 = arith.constant 0 : i32
    return %c0_i32, %arg0, %c0_i32_0 : i32, i32, i32
  }
  func.func @transform_1(%arg0: i32) -> (i32, i32) {
    %c0_i32 = arith.constant 0 : i32
    %c0_i32_0 = arith.constant 0 : i32
    return %arg0, %c0_i32 : i32, i32
  }
  func.func @transform_2(%arg0: i32) -> (i32, i32) {
    %c0_i32 = arith.constant 0 : i32
    %c0_i32_0 = arith.constant 0 : i32
    %c0_i32_1 = arith.constant 0 : i32
    return %c0_i32, %c0_i32_0 : i32, i32
  }
  func.func @transform_3(%arg0: i32) -> (i32, i32) {
    %c0_i32 = arith.constant 0 : i32
    %c0_i32_0 = arith.constant 0 : i32
    %c0_i32_1 = arith.constant 0 : i32
    return %c0_i32, %c0_i32_0 : i32, i32
  }
  func.func @transform_4(%arg0: i32) -> (i32, i32) {
    %c0_i32 = arith.constant 0 : i32
    %c0_i32_0 = arith.constant 0 : i32
    %c0_i32_1 = arith.constant 0 : i32
    return %c0_i32, %c0_i32_0 : i32, i32
  }
  func.func @transform_5(%arg0: i32) -> (i32, i32) {
    %c0_i32 = arith.constant 0 : i32
    %c0_i32_0 = arith.constant 0 : i32
    %c0_i32_1 = arith.constant 0 : i32
    return %c0_i32, %c0_i32_0 : i32, i32
  }
  func.func @transform_6(%arg0: i32) -> (i32, i32) {
    %c0_i32 = arith.constant 0 : i32
    %c0_i32_0 = arith.constant 0 : i32
    %c0_i32_1 = arith.constant 0 : i32
    return %c0_i32, %c0_i32_0 : i32, i32
  }
  func.func @transform_7(%arg0: i32) -> (i32, i32) {
    %c0_i32 = arith.constant 0 : i32
    %c0_i32_0 = arith.constant 0 : i32
    %c0_i32_1 = arith.constant 0 : i32
    return %c0_i32, %c0_i32_0 : i32, i32
  }
  func.func @transform_8(%arg0: i32) -> (i32, i32) {
    %c0_i32 = arith.constant 0 : i32
    %c0_i32_0 = arith.constant 0 : i32
    %c0_i32_1 = arith.constant 0 : i32
    return %c0_i32, %c0_i32_0 : i32, i32
  }
  func.func @transform_9(%arg0: i32) -> (i32, i32) {
    %c0_i32 = arith.constant 0 : i32
    %c0_i32_0 = arith.constant 0 : i32
    %c0_i32_1 = arith.constant 0 : i32
    return %c0_i32, %c0_i32_0 : i32, i32
  }
  func.func @transform_10(%arg0: i32) -> (i32, i32) {
    %c0_i32 = arith.constant 0 : i32
    %c0_i32_0 = arith.constant 0 : i32
    %c0_i32_1 = arith.constant 0 : i32
    return %c0_i32, %c0_i32_0 : i32, i32
  }
  func.func @transform_11(%arg0: i32) -> (i32, i32) {
    %c0_i32 = arith.constant 0 : i32
    %c0_i32_0 = arith.constant 0 : i32
    return %arg0, %c0_i32 : i32, i32
  }
}

</mosaic_0001>

<sc_bundles>
// kernel: kernel.4.cloned.1.call-start
scs
__scs_entry_jumppad:
0x0: {  	(pc) =	sbr.rel $0x88, $3  }
0x1: {  	(tag) =	ssettag $0x0;
	lr =	simm.s32 $0x1  }
0x2: {  	[smem:$0x3F96] =	sst lr;
	_ =	strace $0xD0000000  }
0x3: {  	_ = 	snop  }
0x4: {  	_ = 	snop  }
0x5: {  	_ = 	snop  }
0x6: {  	_ = 	snop  }
0x7: {  	_ = 	snop  }
__scs_overlays_trampoline_lowered:
0x8: {  	[smem:$0x3FA5] =	sst s0  }
0x9: {  	[smem:$0x3FA6] =	sst s1  }
0xa: {  	[smem:$0x3FA7] =	sst s2  }
0xb: {  	[smem:$0x3FA8] =	sst s3  }
0xc: {  	[smem:$0x3FA9] =	sst s4  }
0xd: {  	[smem:$0x3FAA] =	sst s5  }
0xe: {  	[smem:$0x3FAB] =	sst s6  }
0xf: {  	[smem:$0x3FAC] =	sst s7  }
0x10: {  	[smem:$0x3FAD] =	sst s8  }
0x11: {  	[smem:$0x3FAE] =	sst s9;
	s0 =	simm.s32 @!p0 $0x0  }
0x12: {  	s1 =	sld [smem:$0x3F94];
	s0 =	simm.s32 @p0 $0x1  }
0x13: {  	[smem:$0x3FAF] =	sst s0;
	s0 =	simm.s32 @!p1 $0x0  }
0x14: {  	s2 =	sld [smem:$0x3F93];
	s0 =	simm.s32 @p1 $0x1  }
0x15: {  	[smem:$0x3FB0] =	sst s0;
	s0 =	simm.s32 @!p2 $0x0  }
0x16: {  	s3 =	sld [smem:$0x3FDB];
	s0 =	simm.s32 @p2 $0x1  }
0x17: {  	s4 =	simm.s32 $0x1BF5;
	[smem:$0x3FB2] =	sst s0  }
0x18: {  	s0 =	sld [smem:$0x3F95];
	_ =	swait.ge [sflag:s4], $0x0  }
0x19: {  	s7 =	sld [smem:$0x3F96]  }
0x1a: {  	s8 =	sadd.s32 $0xFFFFE003, lr  }
0x1b: {  	s9 =	sadd.s32 $0xFFFFFEF7, lr;
	s5 =	simm.s32 $0xFFFFFFFF;
	p2 =	slt.u32 s8, $0xFFFFF086  }
0x1c: {  	p1 =	slt.u32 s9, $0xF7A;
	s5 =	simm.s32 @!p2 $0x0  }
0x1d: {  	s5 =	simm.s32 @p1 $0x1;
	p0 =	seq.s32 s7, s2  }
0x1e: {  	s7 =	smul.u32 @!p0 $0xF7A, s2;
	p2 =	seq.s32 @!p0 s5, $0x0  }
0x1f: {  	s9 =	smul.u32 $0xF7A, s1;
	s8 =	simm.s32 @!p0 $0x1BF5;
	p2 =	por !p2, p0  }
0x20: {  	[sflag:s8] =	ssyncset.s32 @!p0 $0xFFFFF086;
	s6 =	sadd.s32 @!p0 s3, s7;
	s7 =	simm.s32 @!p0 $0x108  }
0x21: {  	s3 =	sadd.s32 s3, s9;
	s6 =	sadd.s32 @!p0 $0x88, s6;
	s7 =	simm.s32 @p2 $0x1082  }
0x22: {  	[simem:s7], [sflag:s8] =	dma.local @!p0 [hbm:s6], $0xF7A  }
0x23: {  	s9 =	sor.u32 $0xD0000000, s2;
	s6 =	simm.s32 $0x108;
	_ =	swait.ge @!p0 [sflag:s8], $0x0  }
0x24: {  	s3 =	sadd.s32 $0x88, s3;
	s6 =	simm.s32 @!p1 $0x1082;
	[sflag:s4] =	ssyncset.s32 $0xFFFFF086  }
0x25: {  	[simem:s6], [sflag:s4] =	dma.local [hbm:s3], $0xF7A  }
0x26: {  	[smem:$0x3F96] =	sst s1;
	(tag) =	ssettag s2;
	_ =	strace s9  }
0x27: {  	s1 =	sld [smem:$0x3FA6]  }
0x28: {  	s2 =	sld [smem:$0x3FA7]  }
0x29: {  	s4 =	sld [smem:$0x3FA9]  }
0x2a: {  	p0 =	seq.s32 s5, $0x0;
	s5 =	sld [smem:$0x3FAA]  }
0x2b: {  	s6 =	sld [smem:$0x3FAB]  }
0x2c: {  	s7 =	sld [smem:$0x3FAC]  }
0x2d: {  	s3 =	simm.s32 $0x108;
	s8 =	sld [smem:$0x3FAD]  }
0x2e: {  	s3 =	simm.s32 @!p0 $0x1082;
	s9 =	sld [smem:$0x3FAE]  }
0x2f: {  	lr =	sadd.s32 s0, s3;
	s0 =	sld [smem:$0x3FA5]  }
0x30: {  	s3 =	sld [smem:$0x3FA8]  }
0x31: {  	[smem:$0x3FB1] =	sst s10  }
0x32: {  	s10 =	sld [smem:$0x3FAF];
	_ =	sdelay $0x3  }
0x33: {  	p0 =	seq.s32 s10, $0x1;
	s10 =	sld [smem:$0x3FB1];
	_ =	sdelay $0x3  }
0x34: {  	[smem:$0x3FB1] =	sst s10  }
0x35: {  	s10 =	sld [smem:$0x3FB0];
	_ =	sdelay $0x3  }
0x36: {  	p1 =	seq.s32 s10, $0x1;
	s10 =	sld [smem:$0x3FB1];
	_ =	sdelay $0x3  }
0x37: {  	[smem:$0x3FB1] =	sst s10  }
0x38: {  	s10 =	sld [smem:$0x3FB2]  }
0x39: {  	_ = 	snop;
	(pc) =	sbr.ind lr, $3  }
0x3a: {  	_ = 	snop  }
0x3b: {  	_ = 	snop  }
0x3c: {  	p2 =	seq.s32 s10, $0x1;
	s10 =	sld [smem:$0x3FB1]  }
0x3d: {  	_ =	shalt  }
0x3e: {  	_ =	shalt  }
0x3f: {  	_ =	shalt  }
0x40: {  	_ =	shalt  }
0x41: {  	_ =	shalt  }
0x42: {  	_ =	shalt  }
0x43: {  	_ =	shalt  }
0x44: {  	_ =	shalt  }
0x45: {  	_ =	shalt  }
0x46: {  	_ =	shalt  }
0x47: {  	_ =	shalt  }
0x48: {  	_ =	shalt  }
0x49: {  	_ =	shalt  }
0x4a: {  	_ =	shalt  }
0x4b: {  	_ =	shalt  }
0x4c: {  	_ =	shalt  }
0x4d: {  	_ =	shalt  }
0x4e: {  	_ =	shalt  }
0x4f: {  	_ =	shalt  }
0x50: {  	_ =	shalt  }
0x51: {  	_ =	shalt  }
0x52: {  	_ =	shalt  }
0x53: {  	_ =	shalt  }
0x54: {  	_ =	shalt  }
0x55: {  	_ =	shalt  }
0x56: {  	_ =	shalt  }
0x57: {  	_ =	shalt  }
0x58: {  	_ =	shalt  }
0x59: {  	_ =	shalt  }
0x5a: {  	_ =	shalt  }
0x5b: {  	_ =	shalt  }
0x5c: {  	_ =	shalt  }
0x5d: {  	_ =	shalt  }
0x5e: {  	_ =	shalt  }
0x5f: {  	_ =	shalt  }
0x60: {  	_ =	shalt  }
0x61: {  	_ =	shalt  }
0x62: {  	_ =	shalt  }
0x63: {  	_ =	shalt  }
0x64: {  	_ =	shalt  }
0x65: {  	_ =	shalt  }
0x66: {  	_ =	shalt  }
0x67: {  	_ =	shalt  }
0x68: {  	_ =	shalt  }
0x69: {  	_ =	shalt  }
0x6a: {  	_ =	shalt  }
0x6b: {  	_ =	shalt  }
0x6c: {  	_ =	shalt  }
0x6d: {  	_ =	shalt  }
0x6e: {  	_ =	shalt  }
0x6f: {  	_ =	shalt  }
0x70: {  	_ =	shalt  }
0x71: {  	_ =	shalt  }
0x72: {  	_ =	shalt  }
0x73: {  	_ =	shalt  }
0x74: {  	_ =	shalt  }
0x75: {  	_ =	shalt  }
0x76: {  	_ =	shalt  }
0x77: {  	_ =	shalt  }
0x78: {  	_ =	shalt  }
0x79: {  	_ =	shalt  }
0x7a: {  	_ =	shalt  }
0x7b: {  	_ =	shalt  }
0x7c: {  	_ =	shalt  }
0x7d: {  	_ =	shalt  }
0x7e: {  	_ =	shalt  }
0x7f: {  	_ =	shalt  }
0x80: {  	_ =	shalt  }
0x81: {  	_ =	shalt  }
0x82: {  	_ =	shalt  }
0x83: {  	_ =	shalt  }
0x84: {  	_ =	shalt  }
0x85: {  	_ =	shalt  }
0x86: {  	_ =	shalt  }
0x87: {  	_ =	shalt  }
.Lfunc_end0:
.L_simem_size_0:
called_computation_lowered:
.L_overlay_start_0:
0x88: {  	s2 =	sld [smem:$0x3FD9]  }
0x89: {  	s3 =	sld [smem:$0x3FFE];
	_ =	sdelay $0x1  }
0x8a: {  	s1 =	srdreg.scid  }
0x8b: {  	s0 =	sand.u32 $0x1, s1  }
0x8c: {  	s17 =	sshll.u32 s0, $0xA;
	s2 =	sadd.s32 s3, s2  }
0x8d: {  	s2 =	sadd.s32 s2, s17  }
0x8e: {  	[smem:$0x3FBD] =	sst s2  }
0x8f: {  	_ = 	snop  }
0x90: {  	s2 =	sld [smem:$0x3FC8]  }
0x91: {  	s18 =	sld [smem:$0x3FD0];
	(tm) =	ssettm $0x1  }
0x92: {  	s4 =	sld [smem:$0x3FFB];
	_ =	sdelay $0x3  }
0x93: {  	_ =	strace s4  }
0x94: {  	s4 =	sld [smem:$0x3FFC];
	_ =	sdelay $0x3  }
0x95: {  	_ =	strace s4  }
0x96: {  	s4 =	sld [smem:$0x3FFD];
	_ =	sdelay $0x3  }
0x97: {  	_ =	strace s4  }
0x98: {  	_ =	strace $0x8FFFFFFF  }
0x99: {  	s19 =	sld [smem:$0x3FDB];
	_ =	sdelay $0x1  }
0x9a: {  	s5 =	simm.s32 $_scs_section_size  }
0x9b: {  	s6 =	simm.s32 $_size__tile_overlayer_lowered;
	s7 =	simm.s32 $_tile_overlayer_lowered  }
0x9c: {  	s22 =	simm.s32 $0x1BFF;
	s21 =	sshll.u32 s7, $0x1;
	s4 =	sadd.s32 s5, s19  }
0x9d: {  	s8 =	simm.s32 $0x0;
	s20 =	sshll.u32 s6, $0x1;
	s6 =	sadd.s32 s21, s4  }
0x9e: {  	[timem:s8], [sflag:s22] =	dma.local [hbm:s6], s20  }
0x9f: {  	_ =	swait.ge [sflag:s22], s20  }
0xa0: {  	s5 =	ssub.s32 $0x0, s20;
	[sflag:s22] =	ssyncset.done $0x0  }
0xa1: {  	[sflag:s22] =	ssyncadd.s32 s5;
	_ =	sdelay $0x1  }
0xa2: {  	s23 =	simm.s32 $0x1B8B  }
0xa3: {  	_ =	swait.ge [sflag:s23], $0x1  }
0xa4: {  	[sflag:s23] =	ssyncset.done $0x0  }
0xa5: {  	s25 =	simm.s32 $0x1B8E;
	s24 =	sld [smem:$0x3FFE];
	[sflag:s23] =	ssyncadd.s32 $0xFFFFFFFF  }
0xa6: {  	s26 =	simm.s32 $execute0_lowered;
	[smem:$0x3FD2] =	sst s25  }
0xa7: {  	s6 =	sshll.u32 s26, $0x1;
	_ =	strace $0x80000046;
	[dreg:$0x1] =	wrdreg $0xFFFFFFFF  }
0xa8: {  	s28 =	simm.s32 $_size_execute0_lowered;
	s4 =	sadd.s32 s4, s6;
	[dreg:$0x0] =	wrdreg $0x0  }
0xa9: {  	s6 =	sshll.u32 s28, $0x1;
	[dreg:$0x2] =	wrdreg s4  }
0xaa: {  	[dreg:$0x3] =	wrdreg s6  }
0xab: {  	[dreg:$0x4] =	wrdreg $0xC0  }
0xac: {  	_ =	task [dreg:s8], $0x5FFFF  }
0xad: {  	[dreg:$0x1] =	wrdreg $0xFFFFFFFF  }
0xae: {  	[dreg:$0x0] =	wrdreg $0x60  }
0xaf: {  	[dreg:$0x2] =	wrdreg s2  }
0xb0: {  	[dreg:$0x3] =	wrdreg s18  }
0xb1: {  	[dreg:$0x4] =	wrdreg s24  }
0xb2: {  	[dreg:$0x5] =	wrdreg $0xAC000  }
0xb3: {  	[dreg:$0x6] =	wrdreg $0x9  }
0xb4: {  	_ =	task.clear_ibuf [dreg:s8], $0x7FFFF;
	_ =	strace $0x90000046  }
0xb5: {  	s29 =	simm.s32 $0x9;
	_ =	strace $0x80000048  }
0xb6: {  	_ =	swait.ge [sflag:s29], $0x1  }
0xb7: {  	[sflag:s29] =	ssyncadd.s32 $0xFFFFFFFF  }
0xb8: {  	_ =	strace $0x90000048  }
0xb9: {  	_ =	sfence  }
0xba: {  	s30 =	sld [smem:$0x0];
	_ =	sdelay $0x2  }
0xbb: {  	s31 =	sshll.u32 s1, $0xD;
	s1 =	sshrl.u32 s1, $0x2  }
0xbc: {  	s3 =	sand.u32 $0x4000, s31;
	s1 =	sadd.s32 s1, s30  }
0xbd: {  	s0 =	sor.u32 s3, s0;
	s1 =	sshll.u32 s1, $0x11  }
0xbe: {  	s0 =	sor.u32 s1, s0  }
0xbf: {  	s0 =	sadd.s32 $0x8F2B, s0  }
0xc0: {  	[sflag:s0] =	ssyncadd.remote.s32 $0x1  }
0xc1: {  	_ =	sfence.sel $0xFFFF  }
0xc2: {  	[dreg:$0x0] =	wrdreg $0xFFFFFFFF;
	(pc) =	sbr.abs _section_cstart, $3  }
0xc3: {  	[dreg:$0x1] =	wrdreg $0xFFFFFFFF  }
0xc4: {  	_ =	task.clear_ibuf [dreg:s8], $0x2FFFF;
	_ =	strace $0x9FFFFFFF  }
0xc5: {  	(tm) =	ssettm $0x7FFFFFFF  }
tec
execute0_lowered:
.L_overlay_start_1:
0x0: {  	(tag) =	ssettag $0x1  }
0x1: {  	s0 =	rddreg [dreg:$0x0]  }
0x2: {  	s6 =	rddreg [dreg:$0x1]  }
0x3: {  	s5 =	rddreg [dreg:$0x2]  }
0x4: {  	s1 =	srdreg.scid;
	s3 =	rddreg [dreg:$0x3]  }
0x5: {  	s2 =	rddreg [dreg:$0x4];
	s8 =	sand.u32 $0x1, s1  }
0x6: {  	s4 =	simm.s32 $0x0;
	s1 =	stileid.u32;
	s7 =	smul.u32 $0x13C000, s8  }
0x7: {  	s12 =	simm.s32 $0x4E;
	s20 =	simm.s32 $0x6C00;
	s9 =	smul.u32 $0x13C00, s1  }
0x8: {  	[smem:$0x7FF] =	sst s4;
	s10 =	sshll.u32 s8, $0x4;
	s11 =	smul.u32 $0x4F000, s1  }
0x9: {  	_ =	strace $0x80000047;
	s22 =	ssub.s32 $0x2, s8;
	s18 =	smul.u32 $0x4E0, s8  }
0xa: {  	s19 =	smul.u32 $0x4E, s1;
	s30 =	sshll.u32 s1, $0x1;
	s25 =	sor.u32 s1, s10  }
0xb: {  	s23 =	sshrl.u32 s22, $0x1;
	s7 =	sadd.s32 s9, s7;
	s21 =	smul.u32 $0x4E, s25  }
0xc: {  	s15 =	smin.u32 s25, $0x4;
	s17 =	ssub.s32 s22, s23;
	p0 =	slt.u32 s25, $0x4  }
0xd: {  	s28 =	sshrl.u32 s11, $0x2;
	s18 =	sadd.s32 s19, s18;
	s22 =	simm.s32 $0x80  }
0xe: {  	s23 =	simm.s32 $0x3;
	s7 =	sshrl.u32 s7, $0x3;
	s12 =	simm.s32 @!p0 $0x4D  }
0xf: {  	s18 =	sadd.s32 s15, s18;
	s19 =	ssub.s32 s15, s30;
	p0 =	sgt.u32 s25, $0x3  }
0x10: {  	s25 =	simm.s32 $0x0;
	s16 =	sadd.s32 s7, s5;
	s5 =	sadd.s32 s15, s21  }
0x11: {  	s7 =	sadd.s32 s28, s3;
	s18 =	sshll.u32 s18, $0xB;
	s19 =	sand.u32 $0x7, s19  }
0x12: {  	s21 =	simm.s32 $0x1;
	s24 =	sshll.u32 s5, $0x4;
	s14 =	sand.u32 $0x7, s5  }
0x13: {  	s29 =	sshll.u32 s5, $0xB;
	s9 =	sadd.s32 $0x4000, s7;
	s10 =	sadd.s32 $0x8000, s7  }
0x14: {  	s11 =	sadd.s32 $0xC000, s7;
	s13 =	sadd.s32 $0x10000, s7;
	s15 =	sadd.s32 $0x1600, s16  }
0x15: {  	s18 =	sadd.s32 s0, s18;
	s16 =	smax.u32 s17, $0x1;
	s31 =	sshll.u32 s19, $0x7  }
0x16: {  	s19 =	simm.s32 $0x2C00;
	s26 =	sand.u32 $0x1FF80, s24;
	s8 =	sadd.s32 s0, s29  }
0x17: {  	s14 =	sshll.u32 s14, $0x7;
	s17 =	sadd.s32 $0x800, s18;
	s18 =	sadd.s32 $0x80, s31  }
0x18: {  	v0 =	vimm.f32 $0.0e+00;
	s24 =	simm.s32 $0x2;
	s6 =	sadd.s32 s6, s26;
	s14 =	sadd.s32 $0x2700, s14  }
.LBB2_1:
0x19: {  	[tilespmem:s4], [sflag:$0x2] =	stream.linear.gather [hbm4b:s6+s4], $0x2C00, $0x38;
	[tilespmem:$0x1E800] =	vst v63  }
0x1a: {  	s26 =	simm.s32 $0x0;
	s28 =	simm.s32 $0x200  }
0x1b: {  	[tilespmem:s19], [sflag:$0x1] =	stream.linear.gather [hbm4b:s8+s4], $0x4000, $0x38;
	[tilespmem:$0x1E800] =	vst v63  }
.LBB2_2:
0x1c: {  	p1 =	sne.s32 s28, $0xFE00;
	[tilespmem:s26+$0x6C70] =	vst v0  }
0x1d: {  	[tilespmem:s26+$0x6C00] =	vst v0  }
0x1e: {  	[tilespmem:s26+$0x6C10] =	vst v0  }
.Ltmp0:
0x1f: {  	[tilespmem:s26+$0x6C20] =	vst v0;
	(pc) =	sbr.rel @p1 .LBB2_2-.Ltmp0, $4  }
0x20: {  	[tilespmem:s26+$0x6C30] =	vst v0  }
0x21: {  	[tilespmem:s26+$0x6C40] =	vst v0  }
0x22: {  	[tilespmem:s26+$0x6C50] =	vst v0  }
0x23: {  	[tilespmem:s26+$0x6C60] =	vst v0;
	s26 =	sshra.s32 s28, $0x2;
	s28 =	sadd.s32 $0x200, s28  }
0x24: {  	[tilespmem:s26+$0x6C70] =	vst v0  }
0x25: {  	[tilespmem:s26+$0x6C00] =	vst v0  }
0x26: {  	[tilespmem:s26+$0x6C10] =	vst v0  }
0x27: {  	[tilespmem:s26+$0x6C20] =	vst v0  }
0x28: {  	[tilespmem:s26+$0x6C30] =	vst v0  }
0x29: {  	[tilespmem:s26+$0x6C40] =	vst v0  }
0x2a: {  	[tilespmem:s26+$0x6C50] =	vst v0  }
0x2b: {  	[tilespmem:s26+$0x6C60] =	vst v0  }
0x2c: {  	[spmem:s7] =	stream.linear.scatter [tilespmem:s20], [sflag:$0x2], $0x4000, $0x38;
	[tilespmem:$0x1E800] =	vst v63  }
0x2d: {  	_ = 	snop  }
0x2e: {  	[spmem:s9] =	stream.linear.scatter [tilespmem:s20], [sflag:$0x2], $0x4000, $0x38;
	[tilespmem:$0x1E800] =	vst v63  }
0x2f: {  	_ = 	snop  }
0x30: {  	[spmem:s10] =	stream.linear.scatter [tilespmem:s20], [sflag:$0x2], $0x4000, $0x38;
	[tilespmem:$0x1E800] =	vst v63  }
0x31: {  	_ = 	snop  }
0x32: {  	[spmem:s11] =	stream.linear.scatter [tilespmem:s20], [sflag:$0x2], $0x4000, $0x38;
	[tilespmem:$0x1E800] =	vst v63  }
0x33: {  	s31 =	simm.s32 $0x2  }
0x34: {  	[spmem:s13] =	stream.linear.scatter [tilespmem:s20], [sflag:$0x2], $0x3C00, $0x38;
	[tilespmem:$0x1E800] =	vst v63  }
0x35: {  	_ =	swait.ge [sflag:s31], $0x4000  }
0x36: {  	[sflag:s31] =	ssyncset.done $0x0  }
0x37: {  	[sflag:s31] =	ssyncadd.s32 $0xFFFFC000  }
0x38: {  	_ =	swait.ge [sflag:s31], $0x4000  }
0x39: {  	[sflag:s31] =	ssyncset.done $0x0  }
0x3a: {  	[sflag:s31] =	ssyncadd.s32 $0xFFFFC000  }
0x3b: {  	_ =	swait.ge [sflag:s31], $0x4000  }
0x3c: {  	[sflag:s31] =	ssyncset.done $0x0  }
0x3d: {  	[sflag:s31] =	ssyncadd.s32 $0xFFFFC000  }
0x3e: {  	_ =	swait.ge [sflag:s31], $0x4000  }
0x3f: {  	[sflag:s31] =	ssyncset.done $0x0  }
0x40: {  	[sflag:s31] =	ssyncadd.s32 $0xFFFFC000  }
0x41: {  	_ =	swait.ge [sflag:s31], $0x3C00  }
0x42: {  	[sflag:s31] =	ssyncset.done $0x0  }
0x43: {  	[sflag:s31] =	ssyncadd.s32 $0xFFFFC400  }
0x44: {  	_ =	swait.ge [sflag:s31], $0x2C00  }
0x45: {  	[sflag:s31] =	ssyncset.done $0x0  }
0x46: {  	[sflag:s31] =	ssyncadd.s32 $0xFFFFD400  }
0x47: {  	[bflag:$0x0] =	sbarrier.arrive $0xFFFF  }
0x48: {  	[tilespmem:s20], [sflag:$0x2] =	stream.linear.gather [hbm4b:s17+s4], $0x4000, $0x38;
	[tilespmem:$0x1E800] =	vst v63  }
0x49: {  	_ =	swait.ge [sflag:s21], $0x4000  }
0x4a: {  	[sflag:s21] =	ssyncset.done $0x0  }
0x4b: {  	s28 =	sadd.s32 $0xFFFFFF80, s18;
	s26 =	smin.u32 s31, s12;
	[sflag:s21] =	ssyncadd.s32 $0xFFFFC000  }
0x4c: {  	[spmem:s3] =	stream.indirect.scatter.add.f32 [tilespmem:s19], [sflag:$0x3], $0x80, s28, s22, $0xb8;
	[tilespmem:$0x1E800] =	vst v63  }
0x4d: {  	s26 =	sadd.s32 s5, s26;
	_ =	swait.ge [sflag:s23], $0x4000  }
0x4e: {  	s26 =	sshll.u32 s26, $0xB;
	[sflag:s23] =	ssyncset.done $0x0  }
0x4f: {  	s26 =	sadd.s32 s0, s26;
	[sflag:s23] =	ssyncadd.s32 $0xFFFFC000  }
0x50: {  	[tilespmem:s19], [sflag:$0x1] =	stream.linear.gather [hbm4b:s26+s4], $0x4000, $0x38;
	[tilespmem:$0x1E800] =	vst v63  }
0x51: {  	_ =	swait.ge [sflag:s24], $0x4000  }
0x52: {  	[sflag:s24] =	ssyncset.done $0x0  }
0x53: {  	[sflag:s24] =	ssyncadd.s32 $0xFFFFC000  }
0x54: {  	[spmem:s3] =	stream.indirect.scatter.add.f32 [tilespmem:s20], [sflag:$0x3], $0x80, s18, s22, $0xb8;
	[tilespmem:$0x1E800] =	vst v63  }
0x55: {  	s29 =	smov.u32 s18;
	_ =	swait.ge [sflag:s23], $0x4000  }
0x56: {  	s28 =	smov.u32 s17;
	s26 =	simm.s32 $0x4;
	[sflag:s23] =	ssyncset.done $0x0  }
.LBB2_4:
0x57: {  	[sflag:s23] =	ssyncadd.s32 $0xFFFFC000  }
0x58: {  	s28 =	sadd.s32 $0x1000, s28;
	s29 =	sadd.s32 $0x100, s29;
	s30 =	smov.u32 s26  }
0x59: {  	[tilespmem:s20], [sflag:$0x2] =	stream.linear.gather [hbm4b:s28+s4], $0x4000, $0x38;
	[tilespmem:$0x1E800] =	vst v63  }
0x5a: {  	p1 =	sne.s32 s26, $0x4E;
	s26 =	sadd.s32 $0x2, s26;
	_ =	swait.ge [sflag:s21], $0x4000  }
0x5b: {  	[sflag:s21] =	ssyncset.done $0x0  }
0x5c: {  	s31 =	sadd.s32 $0xFFFFFF80, s29;
	s30 =	smin.u32 s30, s12;
	[sflag:s21] =	ssyncadd.s32 $0xFFFFC000  }
0x5d: {  	[spmem:s3] =	stream.indirect.scatter.add.f32 [tilespmem:s19], [sflag:$0x3], $0x80, s31, s22, $0xb8;
	[tilespmem:$0x1E800] =	vst v63  }
0x5e: {  	s30 =	sadd.s32 s5, s30;
	_ =	swait.ge [sflag:s23], $0x4000  }
0x5f: {  	s30 =	sshll.u32 s30, $0xB;
	[sflag:s23] =	ssyncset.done $0x0  }
0x60: {  	s30 =	sadd.s32 s0, s30;
	[sflag:s23] =	ssyncadd.s32 $0xFFFFC000  }
0x61: {  	[tilespmem:s19], [sflag:$0x1] =	stream.linear.gather [hbm4b:s30+s4], $0x4000, $0x38;
	[tilespmem:$0x1E800] =	vst v63  }
0x62: {  	_ =	swait.ge [sflag:s24], $0x4000  }
.Ltmp1:
0x63: {  	[sflag:s24] =	ssyncset.done $0x0;
	(pc) =	sbr.rel @p1 .LBB2_4-.Ltmp1, $4  }
0x64: {  	[sflag:s24] =	ssyncadd.s32 $0xFFFFC000  }
0x65: {  	[spmem:s3] =	stream.indirect.scatter.add.f32 [tilespmem:s20], [sflag:$0x3], $0x80, s29, s22, $0xb8;
	[tilespmem:$0x1E800] =	vst v63  }
0x66: {  	_ =	swait.ge [sflag:s23], $0x4000  }
0x67: {  	[sflag:s23] =	ssyncset.done $0x0  }
0x68: {  	[sflag:s23] =	ssyncadd.s32 $0xFFFFC000  }
0x69: {  	_ =	swait.ge [sflag:s21], $0x4000  }
0x6a: {  	[sflag:s21] =	ssyncset.done $0x0  }
0x6b: {  	s26 =	simm.s32 @!p0 $0x80;
	s28 =	simm.s32 @!p0 $0x2C00;
	[sflag:s21] =	ssyncadd.s32 $0xFFFFC000  }
0x6c: {  	[spmem:s3] =	stream.indirect.scatter.add.f32 @!p0 [tilespmem:s28], [sflag:$0x3], $0x80, s14, s26, $0xb8;
	[tilespmem:$0x1E800] =	vst v63  }
0x6d: {  	s26 =	simm.s32 @!p0 $0x3  }
0x6e: {  	_ =	swait.ge @!p0 [sflag:s26], $0x4000  }
0x6f: {  	s30 =	sshll.u32 s1, $0x6;
	s25 =	sadd.s32 $0x1, s25;
	[sflag:s26] =	ssyncset.done @!p0 $0x0  }
0x70: {  	s31 =	sshrl.u32 s7, $0x3;
	p1 =	sne.s32 s25, s16;
	[sflag:s26] =	ssyncadd.s32 @!p0 $0xFFFFC000  }
.Ltmp2:
0x71: {  	s26 =	sor.u32 $0x1C03, s30;
	[bflag:$0x0] =	sbarrier.arrive $0xFFFF;
	(pc) =	sbr.rel @p1 .LBB2_1-.Ltmp2, $4  }
0x72: {  	[hbm:s15], [sflag:s26] =	dma.local [spmem:s31], $0x2780  }
0x73: {  	_ =	swait.ge [sflag:s23], $0x2780  }
0x74: {  	[sflag:s23] =	ssyncset.done $0x0  }
0x75: {  	[sflag:s23] =	ssyncadd.s32 $0xFFFFD880  }
0x76: {  	_ =	sfence.sel $0x180000  }
0x77: {  	[bflag:$0x0] =	sbarrier.arrive $0xFFFF  }
0x78: {  	p0 =	sne.s32 s1, $0x0;
	_ =	strace $0x90000047  }
0x79: {  	s0 =	sadd.s32 @!p0 $0x100000, s2;
	[bflag:$0x2] =	sbarrier.arrive $0xFFFF  }
0x7a: {  	[sflag:s0] =	ssyncadd.tile.s32 @!p0 $0x1;
	_ =	shalt  }
.Lfunc_end2:
_tile_overlayer_lowered:
.L_overlay_start_2:
0x7b: {  	(tag) =	ssettag $0x2  }
0x7c: {  	s0 =	rddreg [dreg:$0x0];
	s2 =	stileid.u32  }
0x7d: {  	s1 =	rddreg [dreg:$0x1];
	p0 =	sne.s32 s2, $0x0  }
0x7e: {  	s3 =	rddreg [dreg:$0x2];
	[bflag:$0x3] =	sbarrier.arrive $0xFFFF;
	s2 =	simm.s32 @!p0 $0x1C03  }
0x7f: {  	[timem:s3], [sflag:s2] =	dma.local @!p0 [hbm:s0], s1  }
0x80: {  	s0 =	simm.s32 @!p0 $0x3  }
0x81: {  	_ =	swait.ge @!p0 [sflag:s0], s1  }
0x82: {  	s1 =	ssub.s32 @!p0 $0x0, s1;
	[sflag:s0] =	ssyncset.done @!p0 $0x0  }
0x83: {  	[sflag:s0] =	ssyncadd.s32 @!p0 s1  }
0x84: {  	[bflag:$0x3] =	sbarrier.arrive $0xFFFF  }
0x85: {  	_ =	shalt  }

</sc_bundles>
